<compile_context>
chip_gen: v7x
topology: tpu7x:2x2x1
jax: 0.10.2.dev20260603
libtpu: 0.0.44.dev20260713+nightly
codegen_flags: <defaults>
</compile_context>

<pallas_src>
import jax
import jax.numpy as jnp
from jax import lax
from jax.experimental import pallas as pl
from jax.experimental.pallas import tpu as pltpu
from jax.experimental.pallas import tpu_sc as plsc

VOCAB = 1000000
SEQ_LEN = 200
EMBED_DIM = 64
BATCH = 4096
PAD_DIM = 128

N_ROWS = BATCH * SEQ_LEN
NUM_WORKERS = 32
ROWS_PER_WORKER = N_ROWS // NUM_WORKERS
BATCH_PER_CHUNK = 4
CHUNK = BATCH_PER_CHUNK * SEQ_LEN
NUM_CHUNKS = ROWS_PER_WORKER // CHUNK
GATHER_BATCH = 128
FULL_GATHERS = CHUNK // GATHER_BATCH
TAIL = CHUNK - FULL_GATHERS * GATHER_BATCH


def _issue_gathers(token_hbm, idx_ref, rows_ref, sem):
    sizes = [GATHER_BATCH] * FULL_GATHERS + ([TAIL] if TAIL else [])
    off = 0
    for n in sizes:
        pltpu.async_copy(
            token_hbm.at[idx_ref.at[pl.ds(off, n)]],
            rows_ref.at[pl.ds(off, n)],
            sem,
            add=True,
        )
        off += n


def _body(inputs_hbm, token_hbm, pos_hbm, out_hbm,
          pos_sh, idx_v, rows_v, sem_g0, sem_g1, sem_o0, sem_o1):
    sid = lax.axis_index("s")
    wid = sid * 2 + lax.axis_index("c")
    base = wid * ROWS_PER_WORKER
    batch_base = wid * (ROWS_PER_WORKER // SEQ_LEN)
    sems_g = (sem_g0, sem_g1)
    sems_o = (sem_o0, sem_o1)

    @pl.when(sid == 0)
    def _():
        pltpu.sync_copy(pos_hbm, rows_v.at[0, pl.ds(0, SEQ_LEN)])
        pltpu.sync_copy(rows_v.at[0, pl.ds(0, SEQ_LEN)], pos_sh)

    plsc.subcore_barrier()

    def prep_and_fire(c, b):
        start = base + c * CHUNK
        for q in range(BATCH_PER_CHUNK):
            pltpu.sync_copy(pos_sh, rows_v.at[b, pl.ds(q * SEQ_LEN, SEQ_LEN)])
        pltpu.sync_copy(inputs_hbm.at[pl.ds(start, CHUNK)], idx_v.at[b])
        _issue_gathers(token_hbm, idx_v.at[b], rows_v.at[b], sems_g[b])

    def wait_gathers(b):
        pltpu.make_async_copy(
            token_hbm.at[pl.ds(0, CHUNK)], rows_v.at[b], sems_g[b]).wait()

    def fire_writeback(c, b):
        brow = batch_base + c * BATCH_PER_CHUNK
        for r in range(BATCH_PER_CHUNK):
            pltpu.async_copy(
                rows_v.at[b, pl.ds(r * SEQ_LEN, SEQ_LEN)],
                out_hbm.at[brow + r, slice(None), pl.ds(0, EMBED_DIM)],
                sems_o[b],
            )

    def wait_writeback(c, b):
        brow = batch_base + c * BATCH_PER_CHUNK
        for r in range(BATCH_PER_CHUNK):
            pltpu.make_async_copy(
                rows_v.at[b, pl.ds(r * SEQ_LEN, SEQ_LEN)],
                out_hbm.at[brow + r, slice(None), pl.ds(0, EMBED_DIM)],
                sems_o[b],
            ).wait()

    prep_and_fire(0, 0)

    @pl.loop(1, NUM_CHUNKS)
    def _chunk(c):
        b = lax.rem(c, 2)

        @pl.when(b == 0)
        def _():
            @pl.when(c >= 2)
            def _():
                wait_writeback(c - 2, 0)
            prep_and_fire(c, 0)
            wait_gathers(1)
            fire_writeback(c - 1, 1)

        @pl.when(b == 1)
        def _():
            @pl.when(c >= 2)
            def _():
                wait_writeback(c - 2, 1)
            prep_and_fire(c, 1)
            wait_gathers(0)
            fire_writeback(c - 1, 0)

    last = NUM_CHUNKS - 1
    bl = last % 2
    wait_gathers(bl)
    fire_writeback(last, bl)
    wait_writeback(last - 1, 1 - bl)
    wait_writeback(last, bl)


@jax.jit
def _run(inputs2, token_2m, position_table):
    mesh = plsc.VectorSubcoreMesh(core_axis_name="c", subcore_axis_name="s")
    kern = pl.kernel(
        _body,
        out_type=jax.ShapeDtypeStruct((BATCH, SEQ_LEN, PAD_DIM), jnp.float32),
        mesh=mesh,
        scratch_types=[
            pltpu.VMEM_SHARED((SEQ_LEN, EMBED_DIM), jnp.float32),
            pltpu.VMEM((2, CHUNK), jnp.int32),
            pltpu.VMEM((2, CHUNK, EMBED_DIM), jnp.float32),
            pltpu.SemaphoreType.DMA,
            pltpu.SemaphoreType.DMA,
            pltpu.SemaphoreType.DMA,
            pltpu.SemaphoreType.DMA,
        ],
        compiler_params=pltpu.CompilerParams(use_tc_tiling_on_sc=False),
    )
    return kern(inputs2, token_2m, position_table)[:, :, :EMBED_DIM]


TP_BLK = 16384
TP_GRID = -(-VOCAB // TP_BLK)


def _tp_body(xT_ref, o_ref):
    xt = xT_ref[...].T
    o_ref[...] = jnp.concatenate(
        [xt, jnp.zeros((TP_BLK, EMBED_DIM), jnp.float32)], axis=1)


def _transpose_pad(tokT):
    return pl.pallas_call(
        _tp_body,
        out_shape=jax.ShapeDtypeStruct((VOCAB, PAD_DIM), jnp.float32),
        grid=(TP_GRID,),
        in_specs=[pl.BlockSpec((EMBED_DIM, TP_BLK), lambda i: (0, i))],
        out_specs=pl.BlockSpec((TP_BLK, PAD_DIM), lambda i: (i, 0)),
        compiler_params=pltpu.CompilerParams(
            dimension_semantics=("arbitrary",)),
    )(tokT)


def kernel(inputs, token_table, position_table):
    inputs2 = inputs.reshape(-1).astype(jnp.int32) * 2
    token_2m = _transpose_pad(token_table.T).reshape(2 * VOCAB, EMBED_DIM)
    return _run(inputs2, token_2m, position_table)

# --- scband reference (transcript-rebuilt; emitter-appended) ---
"""Pipeline reference for scband-positional-embedding-18236431138871 (READ-ONLY COPY).

The authoritative reference and input builder live on the scoring server;
editing this copy changes nothing except your own understanding.
"""

import jax, jax.numpy as jnp
import numpy as np

VOCAB = 1000000
SEQ_LEN = 200
EMBED_DIM = 64
BATCH = 4096


def setup_inputs(seed: int = 0) -> dict:
    key = jax.random.key(seed)
    k1, k2, k3 = jax.random.split(key, 3)
    inputs = jax.random.randint(k1, (BATCH, SEQ_LEN), 0, VOCAB, dtype=jnp.int64 if jax.config.jax_enable_x64 else jnp.int32)
    token_table = jax.random.normal(k2, (VOCAB, EMBED_DIM), dtype=jnp.float32) * 0.02
    position_table = jax.random.normal(k3, (SEQ_LEN, EMBED_DIM), dtype=jnp.float32) * 0.02
    return {"inputs": inputs, "token_table": token_table, "position_table": position_table}


def reference(inputs, token_table, position_table):
    # positions = tf.range(0, shape(inputs)[-1])
    positions = jnp.arange(inputs.shape[-1])
    # embedded_tokens = token_embeddings(inputs)  -> gather rows
    embedded_tokens = jnp.take(token_table, inputs, axis=0)
    # embedded_positions = position_embeddings(positions)
    embedded_positions = jnp.take(position_table, positions, axis=0)
    # broadcast-add positions over batch dim
    return embedded_tokens + embedded_positions

if __name__ == "__main__":
    import jax
    _d = setup_inputs()
    print(jax.jit(kernel)(*tuple(_d.values())))

</pallas_src>

<mosaic_0001>
#map = affine_map<(d0, d1) -> (0)>
#map1 = affine_map<(d0, d1) -> (0, 0)>
#map2 = affine_map<(d0, d1) -> (0, 0, 0)>
module attributes {stable_mosaic.version = 14 : i64} {
  func.func @_body(%arg0: i32, %arg1: i32, %arg2: memref<819200xi32, #tpu.memory_space<hbm>>, %arg3: memref<2000000x64xf32, #tpu.memory_space<hbm>>, %arg4: memref<200x64xf32, #tpu.memory_space<hbm>>, %arg5: memref<4096x200x128xf32, #tpu.memory_space<hbm>>, %arg6: memref<200x64xf32, #tpu.memory_space<vmem_shared>>, %arg7: memref<2x800xi32, #tpu.memory_space<vmem>>, %arg8: memref<2x800x64xf32, #tpu.memory_space<vmem>>, %arg9: memref<!tpu.dma_semaphore, #tpu.memory_space<semaphore_mem>>, %arg10: memref<!tpu.dma_semaphore, #tpu.memory_space<semaphore_mem>>, %arg11: memref<!tpu.dma_semaphore, #tpu.memory_space<semaphore_mem>>, %arg12: memref<!tpu.dma_semaphore, #tpu.memory_space<semaphore_mem>>) attributes {dimension_semantics = [#tpu.dimension_semantics<core_parallel>, #tpu.dimension_semantics<subcore_parallel>], iteration_bounds = array<i64: 2, 16>, scalar_prefetch = 0 : i64, scratch_operands = 7 : i64, tpu.core_type = #tpu.core_type<sc_vector_subcore>, window_params = [{transform_indices = #map}, {transform_indices = #map1}, {transform_indices = #map1}, {transform_indices = #map2}]} {
    %mul3A = arith.constant 2 : i32
    %mul3A_0 = arith.muli %arg1, %mul3A : i32
    %add3A = arith.addi %mul3A_0, %arg0 : i32
    %mul3A_1 = arith.constant 25600 : i32
    %mul3A_2 = arith.muli %add3A, %mul3A_1 : i32
    %mul3A_3 = arith.constant 128 : i32
    %mul3A_4 = arith.muli %add3A, %mul3A_3 : i32
    %eq3A = arith.constant 0 : i32
    %eq3A_5 = arith.cmpi eq, %arg1, %eq3A : i32
    %convert_element_type3A = arith.extui %eq3A_5 : i1 to i32
    %cond3A = arith.constant 0 : i32
    %cond3A_6 = arith.cmpi ne, %convert_element_type3A, %cond3A : i32
    scf.if %cond3A_6 {
      %run_scoped3A_383 = arith.constant 0 : i32
      "tpu.region"() ({
        %run_scoped3A_385 = tpu.sem_alloc : memref<!tpu.dma_semaphore, #tpu.memory_space<semaphore_mem>>
        %dma_start3A_386 = arith.constant 0 : i32
        %dma_start3A_387 = arith.constant 0 : i32
        %dma_start3A_388 = tpu.memref_slice %arg8[%run_scoped3A_383, %dma_start3A_386, %dma_start3A_387] : memref<2x800x64xf32, #tpu.memory_space<vmem>> -> memref<1x200x64xf32, #tpu.memory_space<vmem>>
        %dma_start3A_389 = tpu.memref_squeeze %dma_start3A_388 : memref<1x200x64xf32, #tpu.memory_space<vmem>> -> memref<200x64xf32, #tpu.memory_space<vmem>>
        %dma_start3A_390 = arith.constant 0 : i32
        %dma_start3A_391 = arith.constant 0 : i32
        %dma_start3A_392 = tpu.memref_slice %arg8[%run_scoped3A_383, %dma_start3A_390, %dma_start3A_391] : memref<2x800x64xf32, #tpu.memory_space<vmem>> -> memref<1x200x64xf32, #tpu.memory_space<vmem>>
        %dma_start3A_393 = tpu.memref_squeeze %dma_start3A_392 : memref<1x200x64xf32, #tpu.memory_space<vmem>> -> memref<200x64xf32, #tpu.memory_space<vmem>>
        tpu.enqueue_dma source(%arg4 : memref<200x64xf32, #tpu.memory_space<hbm>>) target(%dma_start3A_393 : memref<200x64xf32, #tpu.memory_space<vmem>>) target_semaphore(%run_scoped3A_385 : memref<!tpu.dma_semaphore, #tpu.memory_space<semaphore_mem>>)
        %dma_wait3A_394 = arith.constant 0 : i32
        %dma_wait3A_395 = arith.constant 0 : i32
        %dma_wait3A_396 = tpu.memref_slice %arg8[%run_scoped3A_383, %dma_wait3A_394, %dma_wait3A_395] : memref<2x800x64xf32, #tpu.memory_space<vmem>> -> memref<1x200x64xf32, #tpu.memory_space<vmem>>
        %dma_wait3A_397 = tpu.memref_squeeze %dma_wait3A_396 : memref<1x200x64xf32, #tpu.memory_space<vmem>> -> memref<200x64xf32, #tpu.memory_space<vmem>>
        %dma_wait3A_398 = arith.constant 0 : i32
        %dma_wait3A_399 = arith.constant 0 : i32
        %dma_wait3A_400 = tpu.memref_slice %arg8[%run_scoped3A_383, %dma_wait3A_398, %dma_wait3A_399] : memref<2x800x64xf32, #tpu.memory_space<vmem>> -> memref<1x200x64xf32, #tpu.memory_space<vmem>>
        %dma_wait3A_401 = tpu.memref_squeeze %dma_wait3A_400 : memref<1x200x64xf32, #tpu.memory_space<vmem>> -> memref<200x64xf32, #tpu.memory_space<vmem>>
        tpu.wait_dma2 semaphore(%run_scoped3A_385 : memref<!tpu.dma_semaphore, #tpu.memory_space<semaphore_mem>>) src(%arg4 : memref<200x64xf32, #tpu.memory_space<hbm>>) dst(%dma_wait3A_401 : memref<200x64xf32, #tpu.memory_space<vmem>>)
        tpu.yield
      }) : () -> ()
      %run_scoped3A_384 = arith.constant 0 : i32
      "tpu.region"() ({
        %run_scoped3A_385 = tpu.sem_alloc : memref<!tpu.dma_semaphore, #tpu.memory_space<semaphore_mem>>
        %dma_start3A_386 = arith.constant 0 : i32
        %dma_start3A_387 = arith.constant 0 : i32
        %dma_start3A_388 = tpu.memref_slice %arg8[%run_scoped3A_384, %dma_start3A_386, %dma_start3A_387] : memref<2x800x64xf32, #tpu.memory_space<vmem>> -> memref<1x200x64xf32, #tpu.memory_space<vmem>>
        %dma_start3A_389 = tpu.memref_squeeze %dma_start3A_388 : memref<1x200x64xf32, #tpu.memory_space<vmem>> -> memref<200x64xf32, #tpu.memory_space<vmem>>
        %dma_start3A_390 = arith.constant 0 : i32
        %dma_start3A_391 = arith.constant 0 : i32
        %dma_start3A_392 = tpu.memref_slice %arg8[%run_scoped3A_384, %dma_start3A_390, %dma_start3A_391] : memref<2x800x64xf32, #tpu.memory_space<vmem>> -> memref<1x200x64xf32, #tpu.memory_space<vmem>>
        %dma_start3A_393 = tpu.memref_squeeze %dma_start3A_392 : memref<1x200x64xf32, #tpu.memory_space<vmem>> -> memref<200x64xf32, #tpu.memory_space<vmem>>
        tpu.enqueue_dma source(%dma_start3A_393 : memref<200x64xf32, #tpu.memory_space<vmem>>) target(%arg6 : memref<200x64xf32, #tpu.memory_space<vmem_shared>>) target_semaphore(%run_scoped3A_385 : memref<!tpu.dma_semaphore, #tpu.memory_space<semaphore_mem>>)
        %dma_wait3A_394 = arith.constant 0 : i32
        %dma_wait3A_395 = arith.constant 0 : i32
        %dma_wait3A_396 = tpu.memref_slice %arg8[%run_scoped3A_384, %dma_wait3A_394, %dma_wait3A_395] : memref<2x800x64xf32, #tpu.memory_space<vmem>> -> memref<1x200x64xf32, #tpu.memory_space<vmem>>
        %dma_wait3A_397 = tpu.memref_squeeze %dma_wait3A_396 : memref<1x200x64xf32, #tpu.memory_space<vmem>> -> memref<200x64xf32, #tpu.memory_space<vmem>>
        %dma_wait3A_398 = arith.constant 0 : i32
        %dma_wait3A_399 = arith.constant 0 : i32
        %dma_wait3A_400 = tpu.memref_slice %arg8[%run_scoped3A_384, %dma_wait3A_398, %dma_wait3A_399] : memref<2x800x64xf32, #tpu.memory_space<vmem>> -> memref<1x200x64xf32, #tpu.memory_space<vmem>>
        %dma_wait3A_401 = tpu.memref_squeeze %dma_wait3A_400 : memref<1x200x64xf32, #tpu.memory_space<vmem>> -> memref<200x64xf32, #tpu.memory_space<vmem>>
        tpu.wait_dma2 semaphore(%run_scoped3A_385 : memref<!tpu.dma_semaphore, #tpu.memory_space<semaphore_mem>>) src(%dma_wait3A_401 : memref<200x64xf32, #tpu.memory_space<vmem>>) dst(%arg6 : memref<200x64xf32, #tpu.memory_space<vmem_shared>>)
        tpu.yield
      }) : () -> ()
    } else {
    }
    %barrier3A = arith.constant 0 : index
    tpu.barrier barrier_id(%barrier3A)
    %add3A_7 = arith.constant 0 : i32
    %add3A_8 = arith.addi %mul3A_2, %add3A_7 : i32
    %run_scoped3A = arith.constant 0 : i32
    "tpu.region"() ({
      %run_scoped3A_383 = tpu.sem_alloc : memref<!tpu.dma_semaphore, #tpu.memory_space<semaphore_mem>>
      %dma_start3A_384 = arith.constant 0 : i32
      %dma_start3A_385 = arith.constant 0 : i32
      %dma_start3A_386 = tpu.memref_slice %arg8[%run_scoped3A, %dma_start3A_384, %dma_start3A_385] : memref<2x800x64xf32, #tpu.memory_space<vmem>> -> memref<1x200x64xf32, #tpu.memory_space<vmem>>
      %dma_start3A_387 = tpu.memref_squeeze %dma_start3A_386 : memref<1x200x64xf32, #tpu.memory_space<vmem>> -> memref<200x64xf32, #tpu.memory_space<vmem>>
      %dma_start3A_388 = arith.constant 0 : i32
      %dma_start3A_389 = arith.constant 0 : i32
      %dma_start3A_390 = tpu.memref_slice %arg8[%run_scoped3A, %dma_start3A_388, %dma_start3A_389] : memref<2x800x64xf32, #tpu.memory_space<vmem>> -> memref<1x200x64xf32, #tpu.memory_space<vmem>>
      %dma_start3A_391 = tpu.memref_squeeze %dma_start3A_390 : memref<1x200x64xf32, #tpu.memory_space<vmem>> -> memref<200x64xf32, #tpu.memory_space<vmem>>
      tpu.enqueue_dma source(%arg6 : memref<200x64xf32, #tpu.memory_space<vmem_shared>>) target(%dma_start3A_391 : memref<200x64xf32, #tpu.memory_space<vmem>>) target_semaphore(%run_scoped3A_383 : memref<!tpu.dma_semaphore, #tpu.memory_space<semaphore_mem>>)
      %dma_wait3A_392 = arith.constant 0 : i32
      %dma_wait3A_393 = arith.constant 0 : i32
      %dma_wait3A_394 = tpu.memref_slice %arg8[%run_scoped3A, %dma_wait3A_392, %dma_wait3A_393] : memref<2x800x64xf32, #tpu.memory_space<vmem>> -> memref<1x200x64xf32, #tpu.memory_space<vmem>>
      %dma_wait3A_395 = tpu.memref_squeeze %dma_wait3A_394 : memref<1x200x64xf32, #tpu.memory_space<vmem>> -> memref<200x64xf32, #tpu.memory_space<vmem>>
      %dma_wait3A_396 = arith.constant 0 : i32
      %dma_wait3A_397 = arith.constant 0 : i32
      %dma_wait3A_398 = tpu.memref_slice %arg8[%run_scoped3A, %dma_wait3A_396, %dma_wait3A_397] : memref<2x800x64xf32, #tpu.memory_space<vmem>> -> memref<1x200x64xf32, #tpu.memory_space<vmem>>
      %dma_wait3A_399 = tpu.memref_squeeze %dma_wait3A_398 : memref<1x200x64xf32, #tpu.memory_space<vmem>> -> memref<200x64xf32, #tpu.memory_space<vmem>>
      tpu.wait_dma2 semaphore(%run_scoped3A_383 : memref<!tpu.dma_semaphore, #tpu.memory_space<semaphore_mem>>) src(%arg6 : memref<200x64xf32, #tpu.memory_space<vmem_shared>>) dst(%dma_wait3A_399 : memref<200x64xf32, #tpu.memory_space<vmem>>)
      tpu.yield
    }) : () -> ()
    %run_scoped3A_9 = arith.constant 0 : i32
    "tpu.region"() ({
      %run_scoped3A_383 = tpu.sem_alloc : memref<!tpu.dma_semaphore, #tpu.memory_space<semaphore_mem>>
      %dma_start3A_384 = arith.constant 200 : i32
      %dma_start3A_385 = arith.constant 0 : i32
      %dma_start3A_386 = tpu.memref_slice %arg8[%run_scoped3A_9, %dma_start3A_384, %dma_start3A_385] : memref<2x800x64xf32, #tpu.memory_space<vmem>> -> memref<1x200x64xf32, #tpu.memory_space<vmem>>
      %dma_start3A_387 = tpu.memref_squeeze %dma_start3A_386 : memref<1x200x64xf32, #tpu.memory_space<vmem>> -> memref<200x64xf32, #tpu.memory_space<vmem>>
      %dma_start3A_388 = arith.constant 200 : i32
      %dma_start3A_389 = arith.constant 0 : i32
      %dma_start3A_390 = tpu.memref_slice %arg8[%run_scoped3A_9, %dma_start3A_388, %dma_start3A_389] : memref<2x800x64xf32, #tpu.memory_space<vmem>> -> memref<1x200x64xf32, #tpu.memory_space<vmem>>
      %dma_start3A_391 = tpu.memref_squeeze %dma_start3A_390 : memref<1x200x64xf32, #tpu.memory_space<vmem>> -> memref<200x64xf32, #tpu.memory_space<vmem>>
      tpu.enqueue_dma source(%arg6 : memref<200x64xf32, #tpu.memory_space<vmem_shared>>) target(%dma_start3A_391 : memref<200x64xf32, #tpu.memory_space<vmem>>) target_semaphore(%run_scoped3A_383 : memref<!tpu.dma_semaphore, #tpu.memory_space<semaphore_mem>>)
      %dma_wait3A_392 = arith.constant 200 : i32
      %dma_wait3A_393 = arith.constant 0 : i32
      %dma_wait3A_394 = tpu.memref_slice %arg8[%run_scoped3A_9, %dma_wait3A_392, %dma_wait3A_393] : memref<2x800x64xf32, #tpu.memory_space<vmem>> -> memref<1x200x64xf32, #tpu.memory_space<vmem>>
      %dma_wait3A_395 = tpu.memref_squeeze %dma_wait3A_394 : memref<1x200x64xf32, #tpu.memory_space<vmem>> -> memref<200x64xf32, #tpu.memory_space<vmem>>
      %dma_wait3A_396 = arith.constant 200 : i32
      %dma_wait3A_397 = arith.constant 0 : i32
      %dma_wait3A_398 = tpu.memref_slice %arg8[%run_scoped3A_9, %dma_wait3A_396, %dma_wait3A_397] : memref<2x800x64xf32, #tpu.memory_space<vmem>> -> memref<1x200x64xf32, #tpu.memory_space<vmem>>
      %dma_wait3A_399 = tpu.memref_squeeze %dma_wait3A_398 : memref<1x200x64xf32, #tpu.memory_space<vmem>> -> memref<200x64xf32, #tpu.memory_space<vmem>>
      tpu.wait_dma2 semaphore(%run_scoped3A_383 : memref<!tpu.dma_semaphore, #tpu.memory_space<semaphore_mem>>) src(%arg6 : memref<200x64xf32, #tpu.memory_space<vmem_shared>>) dst(%dma_wait3A_399 : memref<200x64xf32, #tpu.memory_space<vmem>>)
      tpu.yield
    }) : () -> ()
    %run_scoped3A_10 = arith.constant 0 : i32
    "tpu.region"() ({
      %run_scoped3A_383 = tpu.sem_alloc : memref<!tpu.dma_semaphore, #tpu.memory_space<semaphore_mem>>
      %dma_start3A_384 = arith.constant 400 : i32
      %dma_start3A_385 = arith.constant 0 : i32
      %dma_start3A_386 = tpu.memref_slice %arg8[%run_scoped3A_10, %dma_start3A_384, %dma_start3A_385] : memref<2x800x64xf32, #tpu.memory_space<vmem>> -> memref<1x200x64xf32, #tpu.memory_space<vmem>>
      %dma_start3A_387 = tpu.memref_squeeze %dma_start3A_386 : memref<1x200x64xf32, #tpu.memory_space<vmem>> -> memref<200x64xf32, #tpu.memory_space<vmem>>
      %dma_start3A_388 = arith.constant 400 : i32
      %dma_start3A_389 = arith.constant 0 : i32
      %dma_start3A_390 = tpu.memref_slice %arg8[%run_scoped3A_10, %dma_start3A_388, %dma_start3A_389] : memref<2x800x64xf32, #tpu.memory_space<vmem>> -> memref<1x200x64xf32, #tpu.memory_space<vmem>>
      %dma_start3A_391 = tpu.memref_squeeze %dma_start3A_390 : memref<1x200x64xf32, #tpu.memory_space<vmem>> -> memref<200x64xf32, #tpu.memory_space<vmem>>
      tpu.enqueue_dma source(%arg6 : memref<200x64xf32, #tpu.memory_space<vmem_shared>>) target(%dma_start3A_391 : memref<200x64xf32, #tpu.memory_space<vmem>>) target_semaphore(%run_scoped3A_383 : memref<!tpu.dma_semaphore, #tpu.memory_space<semaphore_mem>>)
      %dma_wait3A_392 = arith.constant 400 : i32
      %dma_wait3A_393 = arith.constant 0 : i32
      %dma_wait3A_394 = tpu.memref_slice %arg8[%run_scoped3A_10, %dma_wait3A_392, %dma_wait3A_393] : memref<2x800x64xf32, #tpu.memory_space<vmem>> -> memref<1x200x64xf32, #tpu.memory_space<vmem>>
      %dma_wait3A_395 = tpu.memref_squeeze %dma_wait3A_394 : memref<1x200x64xf32, #tpu.memory_space<vmem>> -> memref<200x64xf32, #tpu.memory_space<vmem>>
      %dma_wait3A_396 = arith.constant 400 : i32
      %dma_wait3A_397 = arith.constant 0 : i32
      %dma_wait3A_398 = tpu.memref_slice %arg8[%run_scoped3A_10, %dma_wait3A_396, %dma_wait3A_397] : memref<2x800x64xf32, #tpu.memory_space<vmem>> -> memref<1x200x64xf32, #tpu.memory_space<vmem>>
      %dma_wait3A_399 = tpu.memref_squeeze %dma_wait3A_398 : memref<1x200x64xf32, #tpu.memory_space<vmem>> -> memref<200x64xf32, #tpu.memory_space<vmem>>
      tpu.wait_dma2 semaphore(%run_scoped3A_383 : memref<!tpu.dma_semaphore, #tpu.memory_space<semaphore_mem>>) src(%arg6 : memref<200x64xf32, #tpu.memory_space<vmem_shared>>) dst(%dma_wait3A_399 : memref<200x64xf32, #tpu.memory_space<vmem>>)
      tpu.yield
    }) : () -> ()
    %run_scoped3A_11 = arith.constant 0 : i32
    "tpu.region"() ({
      %run_scoped3A_383 = tpu.sem_alloc : memref<!tpu.dma_semaphore, #tpu.memory_space<semaphore_mem>>
      %dma_start3A_384 = arith.constant 600 : i32
      %dma_start3A_385 = arith.constant 0 : i32
      %dma_start3A_386 = tpu.memref_slice %arg8[%run_scoped3A_11, %dma_start3A_384, %dma_start3A_385] : memref<2x800x64xf32, #tpu.memory_space<vmem>> -> memref<1x200x64xf32, #tpu.memory_space<vmem>>
      %dma_start3A_387 = tpu.memref_squeeze %dma_start3A_386 : memref<1x200x64xf32, #tpu.memory_space<vmem>> -> memref<200x64xf32, #tpu.memory_space<vmem>>
      %dma_start3A_388 = arith.constant 600 : i32
      %dma_start3A_389 = arith.constant 0 : i32
      %dma_start3A_390 = tpu.memref_slice %arg8[%run_scoped3A_11, %dma_start3A_388, %dma_start3A_389] : memref<2x800x64xf32, #tpu.memory_space<vmem>> -> memref<1x200x64xf32, #tpu.memory_space<vmem>>
      %dma_start3A_391 = tpu.memref_squeeze %dma_start3A_390 : memref<1x200x64xf32, #tpu.memory_space<vmem>> -> memref<200x64xf32, #tpu.memory_space<vmem>>
      tpu.enqueue_dma source(%arg6 : memref<200x64xf32, #tpu.memory_space<vmem_shared>>) target(%dma_start3A_391 : memref<200x64xf32, #tpu.memory_space<vmem>>) target_semaphore(%run_scoped3A_383 : memref<!tpu.dma_semaphore, #tpu.memory_space<semaphore_mem>>)
      %dma_wait3A_392 = arith.constant 600 : i32
      %dma_wait3A_393 = arith.constant 0 : i32
      %dma_wait3A_394 = tpu.memref_slice %arg8[%run_scoped3A_11, %dma_wait3A_392, %dma_wait3A_393] : memref<2x800x64xf32, #tpu.memory_space<vmem>> -> memref<1x200x64xf32, #tpu.memory_space<vmem>>
      %dma_wait3A_395 = tpu.memref_squeeze %dma_wait3A_394 : memref<1x200x64xf32, #tpu.memory_space<vmem>> -> memref<200x64xf32, #tpu.memory_space<vmem>>
      %dma_wait3A_396 = arith.constant 600 : i32
      %dma_wait3A_397 = arith.constant 0 : i32
      %dma_wait3A_398 = tpu.memref_slice %arg8[%run_scoped3A_11, %dma_wait3A_396, %dma_wait3A_397] : memref<2x800x64xf32, #tpu.memory_space<vmem>> -> memref<1x200x64xf32, #tpu.memory_space<vmem>>
      %dma_wait3A_399 = tpu.memref_squeeze %dma_wait3A_398 : memref<1x200x64xf32, #tpu.memory_space<vmem>> -> memref<200x64xf32, #tpu.memory_space<vmem>>
      tpu.wait_dma2 semaphore(%run_scoped3A_383 : memref<!tpu.dma_semaphore, #tpu.memory_space<semaphore_mem>>) src(%arg6 : memref<200x64xf32, #tpu.memory_space<vmem_shared>>) dst(%dma_wait3A_399 : memref<200x64xf32, #tpu.memory_space<vmem>>)
      tpu.yield
    }) : () -> ()
    %run_scoped3A_12 = arith.constant 0 : i32
    "tpu.region"() ({
      %run_scoped3A_383 = tpu.sem_alloc : memref<!tpu.dma_semaphore, #tpu.memory_space<semaphore_mem>>
      %dma_start3A_384 = arith.constant 0 : i32
      %dma_start3A_385 = tpu.memref_slice %arg7[%run_scoped3A_12, %dma_start3A_384] : memref<2x800xi32, #tpu.memory_space<vmem>> -> memref<1x800xi32, #tpu.memory_space<vmem>>
      %dma_start3A_386 = tpu.memref_squeeze %dma_start3A_385 : memref<1x800xi32, #tpu.memory_space<vmem>> -> memref<800xi32, #tpu.memory_space<vmem>>
      %dma_start3A_387 = tpu.memref_slice %arg2[%add3A_8] : memref<819200xi32, #tpu.memory_space<hbm>> -> memref<800xi32, #tpu.memory_space<hbm>>
      %dma_start3A_388 = arith.constant 0 : i32
      %dma_start3A_389 = tpu.memref_slice %arg7[%run_scoped3A_12, %dma_start3A_388] : memref<2x800xi32, #tpu.memory_space<vmem>> -> memref<1x800xi32, #tpu.memory_space<vmem>>
      %dma_start3A_390 = tpu.memref_squeeze %dma_start3A_389 : memref<1x800xi32, #tpu.memory_space<vmem>> -> memref<800xi32, #tpu.memory_space<vmem>>
      %dma_start3A_391 = tpu.memref_slice %arg2[%add3A_8] : memref<819200xi32, #tpu.memory_space<hbm>> -> memref<800xi32, #tpu.memory_space<hbm>>
      tpu.enqueue_dma source(%dma_start3A_391 : memref<800xi32, #tpu.memory_space<hbm>>) target(%dma_start3A_390 : memref<800xi32, #tpu.memory_space<vmem>>) target_semaphore(%run_scoped3A_383 : memref<!tpu.dma_semaphore, #tpu.memory_space<semaphore_mem>>)
      %dma_wait3A_392 = arith.constant 0 : i32
      %dma_wait3A_393 = tpu.memref_slice %arg7[%run_scoped3A_12, %dma_wait3A_392] : memref<2x800xi32, #tpu.memory_space<vmem>> -> memref<1x800xi32, #tpu.memory_space<vmem>>
      %dma_wait3A_394 = tpu.memref_squeeze %dma_wait3A_393 : memref<1x800xi32, #tpu.memory_space<vmem>> -> memref<800xi32, #tpu.memory_space<vmem>>
      %dma_wait3A_395 = tpu.memref_slice %arg2[%add3A_8] : memref<819200xi32, #tpu.memory_space<hbm>> -> memref<800xi32, #tpu.memory_space<hbm>>
      %dma_wait3A_396 = arith.constant 0 : i32
      %dma_wait3A_397 = tpu.memref_slice %arg7[%run_scoped3A_12, %dma_wait3A_396] : memref<2x800xi32, #tpu.memory_space<vmem>> -> memref<1x800xi32, #tpu.memory_space<vmem>>
      %dma_wait3A_398 = tpu.memref_squeeze %dma_wait3A_397 : memref<1x800xi32, #tpu.memory_space<vmem>> -> memref<800xi32, #tpu.memory_space<vmem>>
      %dma_wait3A_399 = tpu.memref_slice %arg2[%add3A_8] : memref<819200xi32, #tpu.memory_space<hbm>> -> memref<800xi32, #tpu.memory_space<hbm>>
      tpu.wait_dma2 semaphore(%run_scoped3A_383 : memref<!tpu.dma_semaphore, #tpu.memory_space<semaphore_mem>>) src(%dma_wait3A_399 : memref<800xi32, #tpu.memory_space<hbm>>) dst(%dma_wait3A_398 : memref<800xi32, #tpu.memory_space<vmem>>)
      tpu.yield
    }) : () -> ()
    %dma_start3A = arith.constant 0 : i32
    %dma_start3A_13 = arith.constant 0 : i32
    %dma_start3A_14 = arith.constant 0 : i32
    %dma_start3A_15 = arith.constant 0 : i32
    %dma_start3A_16 = tpu.memref_slice %arg8[%dma_start3A_13, %dma_start3A_14, %dma_start3A_15] : memref<2x800x64xf32, #tpu.memory_space<vmem>> -> memref<1x800x64xf32, #tpu.memory_space<vmem>>
    %dma_start3A_17 = tpu.memref_squeeze %dma_start3A_16 : memref<1x800x64xf32, #tpu.memory_space<vmem>> -> memref<800x64xf32, #tpu.memory_space<vmem>>
    %dma_start3A_18 = arith.constant 0 : i32
    %dma_start3A_19 = arith.constant 0 : i32
    %dma_start3A_20 = tpu.memref_slice %dma_start3A_17[%dma_start3A_18, %dma_start3A_19] : memref<800x64xf32, #tpu.memory_space<vmem>> -> memref<128x64xf32, #tpu.memory_space<vmem>>
    %dma_start3A_21 = arith.constant 0 : i32
    %dma_start3A_22 = tpu.memref_slice %arg7[%dma_start3A, %dma_start3A_21] : memref<2x800xi32, #tpu.memory_space<vmem>> -> memref<1x800xi32, #tpu.memory_space<vmem>>
    %dma_start3A_23 = tpu.memref_squeeze %dma_start3A_22 : memref<1x800xi32, #tpu.memory_space<vmem>> -> memref<800xi32, #tpu.memory_space<vmem>>
    %dma_start3A_24 = arith.constant 0 : i32
    %dma_start3A_25 = tpu.memref_slice %dma_start3A_23[%dma_start3A_24] : memref<800xi32, #tpu.memory_space<vmem>> -> memref<128xi32, #tpu.memory_space<vmem>>
    %dma_start3A_26 = arith.constant 0 : i32
    %dma_start3A_27 = arith.constant 0 : i32
    %dma_start3A_28 = tpu.memref_slice %arg3[%dma_start3A_26, %dma_start3A_27] : memref<2000000x64xf32, #tpu.memory_space<hbm>> -> memref<2000000x64xf32, #tpu.memory_space<hbm>>
    tpu.enqueue_indirect_dma source(%dma_start3A_28 : memref<2000000x64xf32, #tpu.memory_space<hbm>>) target(%dma_start3A_20 : memref<128x64xf32, #tpu.memory_space<vmem>>) offsets(%dma_start3A_25 : memref<128xi32, #tpu.memory_space<vmem>>) semaphore(%arg9 : memref<!tpu.dma_semaphore, #tpu.memory_space<semaphore_mem>>) {add = true}
    %dma_start3A_29 = arith.constant 0 : i32
    %dma_start3A_30 = arith.constant 0 : i32
    %dma_start3A_31 = arith.constant 0 : i32
    %dma_start3A_32 = arith.constant 0 : i32
    %dma_start3A_33 = tpu.memref_slice %arg8[%dma_start3A_30, %dma_start3A_31, %dma_start3A_32] : memref<2x800x64xf32, #tpu.memory_space<vmem>> -> memref<1x800x64xf32, #tpu.memory_space<vmem>>
    %dma_start3A_34 = tpu.memref_squeeze %dma_start3A_33 : memref<1x800x64xf32, #tpu.memory_space<vmem>> -> memref<800x64xf32, #tpu.memory_space<vmem>>
    %dma_start3A_35 = arith.constant 128 : i32
    %dma_start3A_36 = arith.constant 0 : i32
    %dma_start3A_37 = tpu.memref_slice %dma_start3A_34[%dma_start3A_35, %dma_start3A_36] : memref<800x64xf32, #tpu.memory_space<vmem>> -> memref<128x64xf32, #tpu.memory_space<vmem>>
    %dma_start3A_38 = arith.constant 0 : i32
    %dma_start3A_39 = tpu.memref_slice %arg7[%dma_start3A_29, %dma_start3A_38] : memref<2x800xi32, #tpu.memory_space<vmem>> -> memref<1x800xi32, #tpu.memory_space<vmem>>
    %dma_start3A_40 = tpu.memref_squeeze %dma_start3A_39 : memref<1x800xi32, #tpu.memory_space<vmem>> -> memref<800xi32, #tpu.memory_space<vmem>>
    %dma_start3A_41 = arith.constant 128 : i32
    %dma_start3A_42 = tpu.memref_slice %dma_start3A_40[%dma_start3A_41] : memref<800xi32, #tpu.memory_space<vmem>> -> memref<128xi32, #tpu.memory_space<vmem>>
    %dma_start3A_43 = arith.constant 0 : i32
    %dma_start3A_44 = arith.constant 0 : i32
    %dma_start3A_45 = tpu.memref_slice %arg3[%dma_start3A_43, %dma_start3A_44] : memref<2000000x64xf32, #tpu.memory_space<hbm>> -> memref<2000000x64xf32, #tpu.memory_space<hbm>>
    tpu.enqueue_indirect_dma source(%dma_start3A_45 : memref<2000000x64xf32, #tpu.memory_space<hbm>>) target(%dma_start3A_37 : memref<128x64xf32, #tpu.memory_space<vmem>>) offsets(%dma_start3A_42 : memref<128xi32, #tpu.memory_space<vmem>>) semaphore(%arg9 : memref<!tpu.dma_semaphore, #tpu.memory_space<semaphore_mem>>) {add = true}
    %dma_start3A_46 = arith.constant 0 : i32
    %dma_start3A_47 = arith.constant 0 : i32
    %dma_start3A_48 = arith.constant 0 : i32
    %dma_start3A_49 = arith.constant 0 : i32
    %dma_start3A_50 = tpu.memref_slice %arg8[%dma_start3A_47, %dma_start3A_48, %dma_start3A_49] : memref<2x800x64xf32, #tpu.memory_space<vmem>> -> memref<1x800x64xf32, #tpu.memory_space<vmem>>
    %dma_start3A_51 = tpu.memref_squeeze %dma_start3A_50 : memref<1x800x64xf32, #tpu.memory_space<vmem>> -> memref<800x64xf32, #tpu.memory_space<vmem>>
    %dma_start3A_52 = arith.constant 256 : i32
    %dma_start3A_53 = arith.constant 0 : i32
    %dma_start3A_54 = tpu.memref_slice %dma_start3A_51[%dma_start3A_52, %dma_start3A_53] : memref<800x64xf32, #tpu.memory_space<vmem>> -> memref<128x64xf32, #tpu.memory_space<vmem>>
    %dma_start3A_55 = arith.constant 0 : i32
    %dma_start3A_56 = tpu.memref_slice %arg7[%dma_start3A_46, %dma_start3A_55] : memref<2x800xi32, #tpu.memory_space<vmem>> -> memref<1x800xi32, #tpu.memory_space<vmem>>
    %dma_start3A_57 = tpu.memref_squeeze %dma_start3A_56 : memref<1x800xi32, #tpu.memory_space<vmem>> -> memref<800xi32, #tpu.memory_space<vmem>>
    %dma_start3A_58 = arith.constant 256 : i32
    %dma_start3A_59 = tpu.memref_slice %dma_start3A_57[%dma_start3A_58] : memref<800xi32, #tpu.memory_space<vmem>> -> memref<128xi32, #tpu.memory_space<vmem>>
    %dma_start3A_60 = arith.constant 0 : i32
    %dma_start3A_61 = arith.constant 0 : i32
    %dma_start3A_62 = tpu.memref_slice %arg3[%dma_start3A_60, %dma_start3A_61] : memref<2000000x64xf32, #tpu.memory_space<hbm>> -> memref<2000000x64xf32, #tpu.memory_space<hbm>>
    tpu.enqueue_indirect_dma source(%dma_start3A_62 : memref<2000000x64xf32, #tpu.memory_space<hbm>>) target(%dma_start3A_54 : memref<128x64xf32, #tpu.memory_space<vmem>>) offsets(%dma_start3A_59 : memref<128xi32, #tpu.memory_space<vmem>>) semaphore(%arg9 : memref<!tpu.dma_semaphore, #tpu.memory_space<semaphore_mem>>) {add = true}
    %dma_start3A_63 = arith.constant 0 : i32
    %dma_start3A_64 = arith.constant 0 : i32
    %dma_start3A_65 = arith.constant 0 : i32
    %dma_start3A_66 = arith.constant 0 : i32
    %dma_start3A_67 = tpu.memref_slice %arg8[%dma_start3A_64, %dma_start3A_65, %dma_start3A_66] : memref<2x800x64xf32, #tpu.memory_space<vmem>> -> memref<1x800x64xf32, #tpu.memory_space<vmem>>
    %dma_start3A_68 = tpu.memref_squeeze %dma_start3A_67 : memref<1x800x64xf32, #tpu.memory_space<vmem>> -> memref<800x64xf32, #tpu.memory_space<vmem>>
    %dma_start3A_69 = arith.constant 384 : i32
    %dma_start3A_70 = arith.constant 0 : i32
    %dma_start3A_71 = tpu.memref_slice %dma_start3A_68[%dma_start3A_69, %dma_start3A_70] : memref<800x64xf32, #tpu.memory_space<vmem>> -> memref<128x64xf32, #tpu.memory_space<vmem>>
    %dma_start3A_72 = arith.constant 0 : i32
    %dma_start3A_73 = tpu.memref_slice %arg7[%dma_start3A_63, %dma_start3A_72] : memref<2x800xi32, #tpu.memory_space<vmem>> -> memref<1x800xi32, #tpu.memory_space<vmem>>
    %dma_start3A_74 = tpu.memref_squeeze %dma_start3A_73 : memref<1x800xi32, #tpu.memory_space<vmem>> -> memref<800xi32, #tpu.memory_space<vmem>>
    %dma_start3A_75 = arith.constant 384 : i32
    %dma_start3A_76 = tpu.memref_slice %dma_start3A_74[%dma_start3A_75] : memref<800xi32, #tpu.memory_space<vmem>> -> memref<128xi32, #tpu.memory_space<vmem>>
    %dma_start3A_77 = arith.constant 0 : i32
    %dma_start3A_78 = arith.constant 0 : i32
    %dma_start3A_79 = tpu.memref_slice %arg3[%dma_start3A_77, %dma_start3A_78] : memref<2000000x64xf32, #tpu.memory_space<hbm>> -> memref<2000000x64xf32, #tpu.memory_space<hbm>>
    tpu.enqueue_indirect_dma source(%dma_start3A_79 : memref<2000000x64xf32, #tpu.memory_space<hbm>>) target(%dma_start3A_71 : memref<128x64xf32, #tpu.memory_space<vmem>>) offsets(%dma_start3A_76 : memref<128xi32, #tpu.memory_space<vmem>>) semaphore(%arg9 : memref<!tpu.dma_semaphore, #tpu.memory_space<semaphore_mem>>) {add = true}
    %dma_start3A_80 = arith.constant 0 : i32
    %dma_start3A_81 = arith.constant 0 : i32
    %dma_start3A_82 = arith.constant 0 : i32
    %dma_start3A_83 = arith.constant 0 : i32
    %dma_start3A_84 = tpu.memref_slice %arg8[%dma_start3A_81, %dma_start3A_82, %dma_start3A_83] : memref<2x800x64xf32, #tpu.memory_space<vmem>> -> memref<1x800x64xf32, #tpu.memory_space<vmem>>
    %dma_start3A_85 = tpu.memref_squeeze %dma_start3A_84 : memref<1x800x64xf32, #tpu.memory_space<vmem>> -> memref<800x64xf32, #tpu.memory_space<vmem>>
    %dma_start3A_86 = arith.constant 512 : i32
    %dma_start3A_87 = arith.constant 0 : i32
    %dma_start3A_88 = tpu.memref_slice %dma_start3A_85[%dma_start3A_86, %dma_start3A_87] : memref<800x64xf32, #tpu.memory_space<vmem>> -> memref<128x64xf32, #tpu.memory_space<vmem>>
    %dma_start3A_89 = arith.constant 0 : i32
    %dma_start3A_90 = tpu.memref_slice %arg7[%dma_start3A_80, %dma_start3A_89] : memref<2x800xi32, #tpu.memory_space<vmem>> -> memref<1x800xi32, #tpu.memory_space<vmem>>
    %dma_start3A_91 = tpu.memref_squeeze %dma_start3A_90 : memref<1x800xi32, #tpu.memory_space<vmem>> -> memref<800xi32, #tpu.memory_space<vmem>>
    %dma_start3A_92 = arith.constant 512 : i32
    %dma_start3A_93 = tpu.memref_slice %dma_start3A_91[%dma_start3A_92] : memref<800xi32, #tpu.memory_space<vmem>> -> memref<128xi32, #tpu.memory_space<vmem>>
    %dma_start3A_94 = arith.constant 0 : i32
    %dma_start3A_95 = arith.constant 0 : i32
    %dma_start3A_96 = tpu.memref_slice %arg3[%dma_start3A_94, %dma_start3A_95] : memref<2000000x64xf32, #tpu.memory_space<hbm>> -> memref<2000000x64xf32, #tpu.memory_space<hbm>>
    tpu.enqueue_indirect_dma source(%dma_start3A_96 : memref<2000000x64xf32, #tpu.memory_space<hbm>>) target(%dma_start3A_88 : memref<128x64xf32, #tpu.memory_space<vmem>>) offsets(%dma_start3A_93 : memref<128xi32, #tpu.memory_space<vmem>>) semaphore(%arg9 : memref<!tpu.dma_semaphore, #tpu.memory_space<semaphore_mem>>) {add = true}
    %dma_start3A_97 = arith.constant 0 : i32
    %dma_start3A_98 = arith.constant 0 : i32
    %dma_start3A_99 = arith.constant 0 : i32
    %dma_start3A_100 = arith.constant 0 : i32
    %dma_start3A_101 = tpu.memref_slice %arg8[%dma_start3A_98, %dma_start3A_99, %dma_start3A_100] : memref<2x800x64xf32, #tpu.memory_space<vmem>> -> memref<1x800x64xf32, #tpu.memory_space<vmem>>
    %dma_start3A_102 = tpu.memref_squeeze %dma_start3A_101 : memref<1x800x64xf32, #tpu.memory_space<vmem>> -> memref<800x64xf32, #tpu.memory_space<vmem>>
    %dma_start3A_103 = arith.constant 640 : i32
    %dma_start3A_104 = arith.constant 0 : i32
    %dma_start3A_105 = tpu.memref_slice %dma_start3A_102[%dma_start3A_103, %dma_start3A_104] : memref<800x64xf32, #tpu.memory_space<vmem>> -> memref<128x64xf32, #tpu.memory_space<vmem>>
    %dma_start3A_106 = arith.constant 0 : i32
    %dma_start3A_107 = tpu.memref_slice %arg7[%dma_start3A_97, %dma_start3A_106] : memref<2x800xi32, #tpu.memory_space<vmem>> -> memref<1x800xi32, #tpu.memory_space<vmem>>
    %dma_start3A_108 = tpu.memref_squeeze %dma_start3A_107 : memref<1x800xi32, #tpu.memory_space<vmem>> -> memref<800xi32, #tpu.memory_space<vmem>>
    %dma_start3A_109 = arith.constant 640 : i32
    %dma_start3A_110 = tpu.memref_slice %dma_start3A_108[%dma_start3A_109] : memref<800xi32, #tpu.memory_space<vmem>> -> memref<128xi32, #tpu.memory_space<vmem>>
    %dma_start3A_111 = arith.constant 0 : i32
    %dma_start3A_112 = arith.constant 0 : i32
    %dma_start3A_113 = tpu.memref_slice %arg3[%dma_start3A_111, %dma_start3A_112] : memref<2000000x64xf32, #tpu.memory_space<hbm>> -> memref<2000000x64xf32, #tpu.memory_space<hbm>>
    tpu.enqueue_indirect_dma source(%dma_start3A_113 : memref<2000000x64xf32, #tpu.memory_space<hbm>>) target(%dma_start3A_105 : memref<128x64xf32, #tpu.memory_space<vmem>>) offsets(%dma_start3A_110 : memref<128xi32, #tpu.memory_space<vmem>>) semaphore(%arg9 : memref<!tpu.dma_semaphore, #tpu.memory_space<semaphore_mem>>) {add = true}
    %dma_start3A_114 = arith.constant 0 : i32
    %dma_start3A_115 = arith.constant 0 : i32
    %dma_start3A_116 = arith.constant 0 : i32
    %dma_start3A_117 = arith.constant 0 : i32
    %dma_start3A_118 = tpu.memref_slice %arg8[%dma_start3A_115, %dma_start3A_116, %dma_start3A_117] : memref<2x800x64xf32, #tpu.memory_space<vmem>> -> memref<1x800x64xf32, #tpu.memory_space<vmem>>
    %dma_start3A_119 = tpu.memref_squeeze %dma_start3A_118 : memref<1x800x64xf32, #tpu.memory_space<vmem>> -> memref<800x64xf32, #tpu.memory_space<vmem>>
    %dma_start3A_120 = arith.constant 768 : i32
    %dma_start3A_121 = arith.constant 0 : i32
    %dma_start3A_122 = tpu.memref_slice %dma_start3A_119[%dma_start3A_120, %dma_start3A_121] : memref<800x64xf32, #tpu.memory_space<vmem>> -> memref<32x64xf32, #tpu.memory_space<vmem>>
    %dma_start3A_123 = arith.constant 0 : i32
    %dma_start3A_124 = tpu.memref_slice %arg7[%dma_start3A_114, %dma_start3A_123] : memref<2x800xi32, #tpu.memory_space<vmem>> -> memref<1x800xi32, #tpu.memory_space<vmem>>
    %dma_start3A_125 = tpu.memref_squeeze %dma_start3A_124 : memref<1x800xi32, #tpu.memory_space<vmem>> -> memref<800xi32, #tpu.memory_space<vmem>>
    %dma_start3A_126 = arith.constant 768 : i32
    %dma_start3A_127 = tpu.memref_slice %dma_start3A_125[%dma_start3A_126] : memref<800xi32, #tpu.memory_space<vmem>> -> memref<32xi32, #tpu.memory_space<vmem>>
    %dma_start3A_128 = arith.constant 0 : i32
    %dma_start3A_129 = arith.constant 0 : i32
    %dma_start3A_130 = tpu.memref_slice %arg3[%dma_start3A_128, %dma_start3A_129] : memref<2000000x64xf32, #tpu.memory_space<hbm>> -> memref<2000000x64xf32, #tpu.memory_space<hbm>>
    tpu.enqueue_indirect_dma source(%dma_start3A_130 : memref<2000000x64xf32, #tpu.memory_space<hbm>>) target(%dma_start3A_122 : memref<32x64xf32, #tpu.memory_space<vmem>>) offsets(%dma_start3A_127 : memref<32xi32, #tpu.memory_space<vmem>>) semaphore(%arg9 : memref<!tpu.dma_semaphore, #tpu.memory_space<semaphore_mem>>) {add = true}
    %scan3A = arith.constant 0 : i32
    %scan3A_131 = arith.constant 31 : i32
    %scan3A_132 = arith.addi %scan3A, %scan3A_131 : i32
    %scan3A_133 = arith.constant 1 : i32
    scf.for %scan3A_383 = %scan3A to %scan3A_132 step %scan3A_133  : i32 {
      %mul3A_384 = arith.constant 1 : i32
      %mul3A_385 = arith.muli %scan3A_383, %mul3A_384 : i32
      %add3A_386 = arith.constant 1 : i32
      %add3A_387 = arith.addi %add3A_386, %mul3A_385 : i32
      %rem3A = arith.constant 2 : i32
      %rem3A_388 = arith.remsi %add3A_387, %rem3A : i32
      %eq3A_389 = arith.constant 0 : i32
      %eq3A_390 = arith.cmpi eq, %rem3A_388, %eq3A_389 : i32
      %convert_element_type3A_391 = arith.extui %eq3A_390 : i1 to i32
      %cond3A_392 = arith.constant 0 : i32
      %cond3A_393 = arith.cmpi ne, %convert_element_type3A_391, %cond3A_392 : i32
      scf.if %cond3A_393 {
        %ge3A = arith.constant 2 : i32
        %ge3A_399 = arith.cmpi sge, %add3A_387, %ge3A : i32
        %convert_element_type3A_400 = arith.extui %ge3A_399 : i1 to i32
        %cond3A_401 = arith.constant 0 : i32
        %cond3A_402 = arith.cmpi ne, %convert_element_type3A_400, %cond3A_401 : i32
        scf.if %cond3A_402 {
          %sub3A_625 = arith.constant 2 : i32
          %sub3A_626 = arith.subi %add3A_387, %sub3A_625 : i32
          %mul3A_627 = arith.constant 4 : i32
          %mul3A_628 = arith.muli %sub3A_626, %mul3A_627 : i32
          %add3A_629 = arith.addi %mul3A_4, %mul3A_628 : i32
          %add3A_630 = arith.constant 0 : i32
          %add3A_631 = arith.addi %add3A_629, %add3A_630 : i32
          %dma_wait3A_632 = arith.constant 0 : i32
          %dma_wait3A_633 = arith.constant 0 : i32
          %dma_wait3A_634 = arith.constant 0 : i32
          %dma_wait3A_635 = tpu.memref_slice %arg8[%dma_wait3A_632, %dma_wait3A_633, %dma_wait3A_634] : memref<2x800x64xf32, #tpu.memory_space<vmem>> -> memref<1x200x64xf32, #tpu.memory_space<vmem>>
          %dma_wait3A_636 = tpu.memref_squeeze %dma_wait3A_635 : memref<1x200x64xf32, #tpu.memory_space<vmem>> -> memref<200x64xf32, #tpu.memory_space<vmem>>
          %dma_wait3A_637 = arith.constant 0 : i32
          %dma_wait3A_638 = arith.constant 0 : i32
          %dma_wait3A_639 = tpu.memref_slice %arg5[%add3A_631, %dma_wait3A_637, %dma_wait3A_638] : memref<4096x200x128xf32, #tpu.memory_space<hbm>> -> memref<1x200x64xf32, #tpu.memory_space<hbm>>
          %dma_wait3A_640 = tpu.memref_squeeze %dma_wait3A_639 : memref<1x200x64xf32, #tpu.memory_space<hbm>> -> memref<200x64xf32, #tpu.memory_space<hbm>>
          %dma_wait3A_641 = arith.constant 0 : i32
          %dma_wait3A_642 = arith.constant 0 : i32
          %dma_wait3A_643 = tpu.memref_slice %arg5[%add3A_631, %dma_wait3A_641, %dma_wait3A_642] : memref<4096x200x128xf32, #tpu.memory_space<hbm>> -> memref<1x200x64xf32, #tpu.memory_space<hbm>>
          %dma_wait3A_644 = tpu.memref_squeeze %dma_wait3A_643 : memref<1x200x64xf32, #tpu.memory_space<hbm>> -> memref<200x64xf32, #tpu.memory_space<hbm>>
          %dma_wait3A_645 = arith.constant 0 : i32
          %dma_wait3A_646 = arith.constant 0 : i32
          %dma_wait3A_647 = tpu.memref_slice %arg8[%dma_wait3A_632, %dma_wait3A_645, %dma_wait3A_646] : memref<2x800x64xf32, #tpu.memory_space<vmem>> -> memref<1x200x64xf32, #tpu.memory_space<vmem>>
          %dma_wait3A_648 = tpu.memref_squeeze %dma_wait3A_647 : memref<1x200x64xf32, #tpu.memory_space<vmem>> -> memref<200x64xf32, #tpu.memory_space<vmem>>
          tpu.wait_dma2 semaphore(%arg11 : memref<!tpu.dma_semaphore, #tpu.memory_space<semaphore_mem>>) src(%dma_wait3A_648 : memref<200x64xf32, #tpu.memory_space<vmem>>) dst(%dma_wait3A_644 : memref<200x64xf32, #tpu.memory_space<hbm>>)
          %add3A_649 = arith.constant 1 : i32
          %add3A_650 = arith.addi %add3A_629, %add3A_649 : i32
          %dma_wait3A_651 = arith.constant 0 : i32
          %dma_wait3A_652 = arith.constant 200 : i32
          %dma_wait3A_653 = arith.constant 0 : i32
          %dma_wait3A_654 = tpu.memref_slice %arg8[%dma_wait3A_651, %dma_wait3A_652, %dma_wait3A_653] : memref<2x800x64xf32, #tpu.memory_space<vmem>> -> memref<1x200x64xf32, #tpu.memory_space<vmem>>
          %dma_wait3A_655 = tpu.memref_squeeze %dma_wait3A_654 : memref<1x200x64xf32, #tpu.memory_space<vmem>> -> memref<200x64xf32, #tpu.memory_space<vmem>>
          %dma_wait3A_656 = arith.constant 0 : i32
          %dma_wait3A_657 = arith.constant 0 : i32
          %dma_wait3A_658 = tpu.memref_slice %arg5[%add3A_650, %dma_wait3A_656, %dma_wait3A_657] : memref<4096x200x128xf32, #tpu.memory_space<hbm>> -> memref<1x200x64xf32, #tpu.memory_space<hbm>>
          %dma_wait3A_659 = tpu.memref_squeeze %dma_wait3A_658 : memref<1x200x64xf32, #tpu.memory_space<hbm>> -> memref<200x64xf32, #tpu.memory_space<hbm>>
          %dma_wait3A_660 = arith.constant 0 : i32
          %dma_wait3A_661 = arith.constant 0 : i32
          %dma_wait3A_662 = tpu.memref_slice %arg5[%add3A_650, %dma_wait3A_660, %dma_wait3A_661] : memref<4096x200x128xf32, #tpu.memory_space<hbm>> -> memref<1x200x64xf32, #tpu.memory_space<hbm>>
          %dma_wait3A_663 = tpu.memref_squeeze %dma_wait3A_662 : memref<1x200x64xf32, #tpu.memory_space<hbm>> -> memref<200x64xf32, #tpu.memory_space<hbm>>
          %dma_wait3A_664 = arith.constant 200 : i32
          %dma_wait3A_665 = arith.constant 0 : i32
          %dma_wait3A_666 = tpu.memref_slice %arg8[%dma_wait3A_651, %dma_wait3A_664, %dma_wait3A_665] : memref<2x800x64xf32, #tpu.memory_space<vmem>> -> memref<1x200x64xf32, #tpu.memory_space<vmem>>
          %dma_wait3A_667 = tpu.memref_squeeze %dma_wait3A_666 : memref<1x200x64xf32, #tpu.memory_space<vmem>> -> memref<200x64xf32, #tpu.memory_space<vmem>>
          tpu.wait_dma2 semaphore(%arg11 : memref<!tpu.dma_semaphore, #tpu.memory_space<semaphore_mem>>) src(%dma_wait3A_667 : memref<200x64xf32, #tpu.memory_space<vmem>>) dst(%dma_wait3A_663 : memref<200x64xf32, #tpu.memory_space<hbm>>)
          %add3A_668 = arith.constant 2 : i32
          %add3A_669 = arith.addi %add3A_629, %add3A_668 : i32
          %dma_wait3A_670 = arith.constant 0 : i32
          %dma_wait3A_671 = arith.constant 400 : i32
          %dma_wait3A_672 = arith.constant 0 : i32
          %dma_wait3A_673 = tpu.memref_slice %arg8[%dma_wait3A_670, %dma_wait3A_671, %dma_wait3A_672] : memref<2x800x64xf32, #tpu.memory_space<vmem>> -> memref<1x200x64xf32, #tpu.memory_space<vmem>>
          %dma_wait3A_674 = tpu.memref_squeeze %dma_wait3A_673 : memref<1x200x64xf32, #tpu.memory_space<vmem>> -> memref<200x64xf32, #tpu.memory_space<vmem>>
          %dma_wait3A_675 = arith.constant 0 : i32
          %dma_wait3A_676 = arith.constant 0 : i32
          %dma_wait3A_677 = tpu.memref_slice %arg5[%add3A_669, %dma_wait3A_675, %dma_wait3A_676] : memref<4096x200x128xf32, #tpu.memory_space<hbm>> -> memref<1x200x64xf32, #tpu.memory_space<hbm>>
          %dma_wait3A_678 = tpu.memref_squeeze %dma_wait3A_677 : memref<1x200x64xf32, #tpu.memory_space<hbm>> -> memref<200x64xf32, #tpu.memory_space<hbm>>
          %dma_wait3A_679 = arith.constant 0 : i32
          %dma_wait3A_680 = arith.constant 0 : i32
          %dma_wait3A_681 = tpu.memref_slice %arg5[%add3A_669, %dma_wait3A_679, %dma_wait3A_680] : memref<4096x200x128xf32, #tpu.memory_space<hbm>> -> memref<1x200x64xf32, #tpu.memory_space<hbm>>
          %dma_wait3A_682 = tpu.memref_squeeze %dma_wait3A_681 : memref<1x200x64xf32, #tpu.memory_space<hbm>> -> memref<200x64xf32, #tpu.memory_space<hbm>>
          %dma_wait3A_683 = arith.constant 400 : i32
          %dma_wait3A_684 = arith.constant 0 : i32
          %dma_wait3A_685 = tpu.memref_slice %arg8[%dma_wait3A_670, %dma_wait3A_683, %dma_wait3A_684] : memref<2x800x64xf32, #tpu.memory_space<vmem>> -> memref<1x200x64xf32, #tpu.memory_space<vmem>>
          %dma_wait3A_686 = tpu.memref_squeeze %dma_wait3A_685 : memref<1x200x64xf32, #tpu.memory_space<vmem>> -> memref<200x64xf32, #tpu.memory_space<vmem>>
          tpu.wait_dma2 semaphore(%arg11 : memref<!tpu.dma_semaphore, #tpu.memory_space<semaphore_mem>>) src(%dma_wait3A_686 : memref<200x64xf32, #tpu.memory_space<vmem>>) dst(%dma_wait3A_682 : memref<200x64xf32, #tpu.memory_space<hbm>>)
          %add3A_687 = arith.constant 3 : i32
          %add3A_688 = arith.addi %add3A_629, %add3A_687 : i32
          %dma_wait3A_689 = arith.constant 0 : i32
          %dma_wait3A_690 = arith.constant 600 : i32
          %dma_wait3A_691 = arith.constant 0 : i32
          %dma_wait3A_692 = tpu.memref_slice %arg8[%dma_wait3A_689, %dma_wait3A_690, %dma_wait3A_691] : memref<2x800x64xf32, #tpu.memory_space<vmem>> -> memref<1x200x64xf32, #tpu.memory_space<vmem>>
          %dma_wait3A_693 = tpu.memref_squeeze %dma_wait3A_692 : memref<1x200x64xf32, #tpu.memory_space<vmem>> -> memref<200x64xf32, #tpu.memory_space<vmem>>
          %dma_wait3A_694 = arith.constant 0 : i32
          %dma_wait3A_695 = arith.constant 0 : i32
          %dma_wait3A_696 = tpu.memref_slice %arg5[%add3A_688, %dma_wait3A_694, %dma_wait3A_695] : memref<4096x200x128xf32, #tpu.memory_space<hbm>> -> memref<1x200x64xf32, #tpu.memory_space<hbm>>
          %dma_wait3A_697 = tpu.memref_squeeze %dma_wait3A_696 : memref<1x200x64xf32, #tpu.memory_space<hbm>> -> memref<200x64xf32, #tpu.memory_space<hbm>>
          %dma_wait3A_698 = arith.constant 0 : i32
          %dma_wait3A_699 = arith.constant 0 : i32
          %dma_wait3A_700 = tpu.memref_slice %arg5[%add3A_688, %dma_wait3A_698, %dma_wait3A_699] : memref<4096x200x128xf32, #tpu.memory_space<hbm>> -> memref<1x200x64xf32, #tpu.memory_space<hbm>>
          %dma_wait3A_701 = tpu.memref_squeeze %dma_wait3A_700 : memref<1x200x64xf32, #tpu.memory_space<hbm>> -> memref<200x64xf32, #tpu.memory_space<hbm>>
          %dma_wait3A_702 = arith.constant 600 : i32
          %dma_wait3A_703 = arith.constant 0 : i32
          %dma_wait3A_704 = tpu.memref_slice %arg8[%dma_wait3A_689, %dma_wait3A_702, %dma_wait3A_703] : memref<2x800x64xf32, #tpu.memory_space<vmem>> -> memref<1x200x64xf32, #tpu.memory_space<vmem>>
          %dma_wait3A_705 = tpu.memref_squeeze %dma_wait3A_704 : memref<1x200x64xf32, #tpu.memory_space<vmem>> -> memref<200x64xf32, #tpu.memory_space<vmem>>
          tpu.wait_dma2 semaphore(%arg11 : memref<!tpu.dma_semaphore, #tpu.memory_space<semaphore_mem>>) src(%dma_wait3A_705 : memref<200x64xf32, #tpu.memory_space<vmem>>) dst(%dma_wait3A_701 : memref<200x64xf32, #tpu.memory_space<hbm>>)
        } else {
        }
        %mul3A_403 = arith.constant 800 : i32
        %mul3A_404 = arith.muli %add3A_387, %mul3A_403 : i32
        %add3A_405 = arith.addi %mul3A_2, %mul3A_404 : i32
        %run_scoped3A_406 = arith.constant 0 : i32
        "tpu.region"() ({
          %run_scoped3A_625 = tpu.sem_alloc : memref<!tpu.dma_semaphore, #tpu.memory_space<semaphore_mem>>
          %dma_start3A_626 = arith.constant 0 : i32
          %dma_start3A_627 = arith.constant 0 : i32
          %dma_start3A_628 = tpu.memref_slice %arg8[%run_scoped3A_406, %dma_start3A_626, %dma_start3A_627] : memref<2x800x64xf32, #tpu.memory_space<vmem>> -> memref<1x200x64xf32, #tpu.memory_space<vmem>>
          %dma_start3A_629 = tpu.memref_squeeze %dma_start3A_628 : memref<1x200x64xf32, #tpu.memory_space<vmem>> -> memref<200x64xf32, #tpu.memory_space<vmem>>
          %dma_start3A_630 = arith.constant 0 : i32
          %dma_start3A_631 = arith.constant 0 : i32
          %dma_start3A_632 = tpu.memref_slice %arg8[%run_scoped3A_406, %dma_start3A_630, %dma_start3A_631] : memref<2x800x64xf32, #tpu.memory_space<vmem>> -> memref<1x200x64xf32, #tpu.memory_space<vmem>>
          %dma_start3A_633 = tpu.memref_squeeze %dma_start3A_632 : memref<1x200x64xf32, #tpu.memory_space<vmem>> -> memref<200x64xf32, #tpu.memory_space<vmem>>
          tpu.enqueue_dma source(%arg6 : memref<200x64xf32, #tpu.memory_space<vmem_shared>>) target(%dma_start3A_633 : memref<200x64xf32, #tpu.memory_space<vmem>>) target_semaphore(%run_scoped3A_625 : memref<!tpu.dma_semaphore, #tpu.memory_space<semaphore_mem>>)
          %dma_wait3A_634 = arith.constant 0 : i32
          %dma_wait3A_635 = arith.constant 0 : i32
          %dma_wait3A_636 = tpu.memref_slice %arg8[%run_scoped3A_406, %dma_wait3A_634, %dma_wait3A_635] : memref<2x800x64xf32, #tpu.memory_space<vmem>> -> memref<1x200x64xf32, #tpu.memory_space<vmem>>
          %dma_wait3A_637 = tpu.memref_squeeze %dma_wait3A_636 : memref<1x200x64xf32, #tpu.memory_space<vmem>> -> memref<200x64xf32, #tpu.memory_space<vmem>>
          %dma_wait3A_638 = arith.constant 0 : i32
          %dma_wait3A_639 = arith.constant 0 : i32
          %dma_wait3A_640 = tpu.memref_slice %arg8[%run_scoped3A_406, %dma_wait3A_638, %dma_wait3A_639] : memref<2x800x64xf32, #tpu.memory_space<vmem>> -> memref<1x200x64xf32, #tpu.memory_space<vmem>>
          %dma_wait3A_641 = tpu.memref_squeeze %dma_wait3A_640 : memref<1x200x64xf32, #tpu.memory_space<vmem>> -> memref<200x64xf32, #tpu.memory_space<vmem>>
          tpu.wait_dma2 semaphore(%run_scoped3A_625 : memref<!tpu.dma_semaphore, #tpu.memory_space<semaphore_mem>>) src(%arg6 : memref<200x64xf32, #tpu.memory_space<vmem_shared>>) dst(%dma_wait3A_641 : memref<200x64xf32, #tpu.memory_space<vmem>>)
          tpu.yield
        }) : () -> ()
        %run_scoped3A_407 = arith.constant 0 : i32
        "tpu.region"() ({
          %run_scoped3A_625 = tpu.sem_alloc : memref<!tpu.dma_semaphore, #tpu.memory_space<semaphore_mem>>
          %dma_start3A_626 = arith.constant 200 : i32
          %dma_start3A_627 = arith.constant 0 : i32
          %dma_start3A_628 = tpu.memref_slice %arg8[%run_scoped3A_407, %dma_start3A_626, %dma_start3A_627] : memref<2x800x64xf32, #tpu.memory_space<vmem>> -> memref<1x200x64xf32, #tpu.memory_space<vmem>>
          %dma_start3A_629 = tpu.memref_squeeze %dma_start3A_628 : memref<1x200x64xf32, #tpu.memory_space<vmem>> -> memref<200x64xf32, #tpu.memory_space<vmem>>
          %dma_start3A_630 = arith.constant 200 : i32
          %dma_start3A_631 = arith.constant 0 : i32
          %dma_start3A_632 = tpu.memref_slice %arg8[%run_scoped3A_407, %dma_start3A_630, %dma_start3A_631] : memref<2x800x64xf32, #tpu.memory_space<vmem>> -> memref<1x200x64xf32, #tpu.memory_space<vmem>>
          %dma_start3A_633 = tpu.memref_squeeze %dma_start3A_632 : memref<1x200x64xf32, #tpu.memory_space<vmem>> -> memref<200x64xf32, #tpu.memory_space<vmem>>
          tpu.enqueue_dma source(%arg6 : memref<200x64xf32, #tpu.memory_space<vmem_shared>>) target(%dma_start3A_633 : memref<200x64xf32, #tpu.memory_space<vmem>>) target_semaphore(%run_scoped3A_625 : memref<!tpu.dma_semaphore, #tpu.memory_space<semaphore_mem>>)
          %dma_wait3A_634 = arith.constant 200 : i32
          %dma_wait3A_635 = arith.constant 0 : i32
          %dma_wait3A_636 = tpu.memref_slice %arg8[%run_scoped3A_407, %dma_wait3A_634, %dma_wait3A_635] : memref<2x800x64xf32, #tpu.memory_space<vmem>> -> memref<1x200x64xf32, #tpu.memory_space<vmem>>
          %dma_wait3A_637 = tpu.memref_squeeze %dma_wait3A_636 : memref<1x200x64xf32, #tpu.memory_space<vmem>> -> memref<200x64xf32, #tpu.memory_space<vmem>>
          %dma_wait3A_638 = arith.constant 200 : i32
          %dma_wait3A_639 = arith.constant 0 : i32
          %dma_wait3A_640 = tpu.memref_slice %arg8[%run_scoped3A_407, %dma_wait3A_638, %dma_wait3A_639] : memref<2x800x64xf32, #tpu.memory_space<vmem>> -> memref<1x200x64xf32, #tpu.memory_space<vmem>>
          %dma_wait3A_641 = tpu.memref_squeeze %dma_wait3A_640 : memref<1x200x64xf32, #tpu.memory_space<vmem>> -> memref<200x64xf32, #tpu.memory_space<vmem>>
          tpu.wait_dma2 semaphore(%run_scoped3A_625 : memref<!tpu.dma_semaphore, #tpu.memory_space<semaphore_mem>>) src(%arg6 : memref<200x64xf32, #tpu.memory_space<vmem_shared>>) dst(%dma_wait3A_641 : memref<200x64xf32, #tpu.memory_space<vmem>>)
          tpu.yield
        }) : () -> ()
        %run_scoped3A_408 = arith.constant 0 : i32
        "tpu.region"() ({
          %run_scoped3A_625 = tpu.sem_alloc : memref<!tpu.dma_semaphore, #tpu.memory_space<semaphore_mem>>
          %dma_start3A_626 = arith.constant 400 : i32
          %dma_start3A_627 = arith.constant 0 : i32
          %dma_start3A_628 = tpu.memref_slice %arg8[%run_scoped3A_408, %dma_start3A_626, %dma_start3A_627] : memref<2x800x64xf32, #tpu.memory_space<vmem>> -> memref<1x200x64xf32, #tpu.memory_space<vmem>>
          %dma_start3A_629 = tpu.memref_squeeze %dma_start3A_628 : memref<1x200x64xf32, #tpu.memory_space<vmem>> -> memref<200x64xf32, #tpu.memory_space<vmem>>
          %dma_start3A_630 = arith.constant 400 : i32
          %dma_start3A_631 = arith.constant 0 : i32
          %dma_start3A_632 = tpu.memref_slice %arg8[%run_scoped3A_408, %dma_start3A_630, %dma_start3A_631] : memref<2x800x64xf32, #tpu.memory_space<vmem>> -> memref<1x200x64xf32, #tpu.memory_space<vmem>>
          %dma_start3A_633 = tpu.memref_squeeze %dma_start3A_632 : memref<1x200x64xf32, #tpu.memory_space<vmem>> -> memref<200x64xf32, #tpu.memory_space<vmem>>
          tpu.enqueue_dma source(%arg6 : memref<200x64xf32, #tpu.memory_space<vmem_shared>>) target(%dma_start3A_633 : memref<200x64xf32, #tpu.memory_space<vmem>>) target_semaphore(%run_scoped3A_625 : memref<!tpu.dma_semaphore, #tpu.memory_space<semaphore_mem>>)
          %dma_wait3A_634 = arith.constant 400 : i32
          %dma_wait3A_635 = arith.constant 0 : i32
          %dma_wait3A_636 = tpu.memref_slice %arg8[%run_scoped3A_408, %dma_wait3A_634, %dma_wait3A_635] : memref<2x800x64xf32, #tpu.memory_space<vmem>> -> memref<1x200x64xf32, #tpu.memory_space<vmem>>
          %dma_wait3A_637 = tpu.memref_squeeze %dma_wait3A_636 : memref<1x200x64xf32, #tpu.memory_space<vmem>> -> memref<200x64xf32, #tpu.memory_space<vmem>>
          %dma_wait3A_638 = arith.constant 400 : i32
          %dma_wait3A_639 = arith.constant 0 : i32
          %dma_wait3A_640 = tpu.memref_slice %arg8[%run_scoped3A_408, %dma_wait3A_638, %dma_wait3A_639] : memref<2x800x64xf32, #tpu.memory_space<vmem>> -> memref<1x200x64xf32, #tpu.memory_space<vmem>>
          %dma_wait3A_641 = tpu.memref_squeeze %dma_wait3A_640 : memref<1x200x64xf32, #tpu.memory_space<vmem>> -> memref<200x64xf32, #tpu.memory_space<vmem>>
          tpu.wait_dma2 semaphore(%run_scoped3A_625 : memref<!tpu.dma_semaphore, #tpu.memory_space<semaphore_mem>>) src(%arg6 : memref<200x64xf32, #tpu.memory_space<vmem_shared>>) dst(%dma_wait3A_641 : memref<200x64xf32, #tpu.memory_space<vmem>>)
          tpu.yield
        }) : () -> ()
        %run_scoped3A_409 = arith.constant 0 : i32
        "tpu.region"() ({
          %run_scoped3A_625 = tpu.sem_alloc : memref<!tpu.dma_semaphore, #tpu.memory_space<semaphore_mem>>
          %dma_start3A_626 = arith.constant 600 : i32
          %dma_start3A_627 = arith.constant 0 : i32
          %dma_start3A_628 = tpu.memref_slice %arg8[%run_scoped3A_409, %dma_start3A_626, %dma_start3A_627] : memref<2x800x64xf32, #tpu.memory_space<vmem>> -> memref<1x200x64xf32, #tpu.memory_space<vmem>>
          %dma_start3A_629 = tpu.memref_squeeze %dma_start3A_628 : memref<1x200x64xf32, #tpu.memory_space<vmem>> -> memref<200x64xf32, #tpu.memory_space<vmem>>
          %dma_start3A_630 = arith.constant 600 : i32
          %dma_start3A_631 = arith.constant 0 : i32
          %dma_start3A_632 = tpu.memref_slice %arg8[%run_scoped3A_409, %dma_start3A_630, %dma_start3A_631] : memref<2x800x64xf32, #tpu.memory_space<vmem>> -> memref<1x200x64xf32, #tpu.memory_space<vmem>>
          %dma_start3A_633 = tpu.memref_squeeze %dma_start3A_632 : memref<1x200x64xf32, #tpu.memory_space<vmem>> -> memref<200x64xf32, #tpu.memory_space<vmem>>
          tpu.enqueue_dma source(%arg6 : memref<200x64xf32, #tpu.memory_space<vmem_shared>>) target(%dma_start3A_633 : memref<200x64xf32, #tpu.memory_space<vmem>>) target_semaphore(%run_scoped3A_625 : memref<!tpu.dma_semaphore, #tpu.memory_space<semaphore_mem>>)
          %dma_wait3A_634 = arith.constant 600 : i32
          %dma_wait3A_635 = arith.constant 0 : i32
          %dma_wait3A_636 = tpu.memref_slice %arg8[%run_scoped3A_409, %dma_wait3A_634, %dma_wait3A_635] : memref<2x800x64xf32, #tpu.memory_space<vmem>> -> memref<1x200x64xf32, #tpu.memory_space<vmem>>
          %dma_wait3A_637 = tpu.memref_squeeze %dma_wait3A_636 : memref<1x200x64xf32, #tpu.memory_space<vmem>> -> memref<200x64xf32, #tpu.memory_space<vmem>>
          %dma_wait3A_638 = arith.constant 600 : i32
          %dma_wait3A_639 = arith.constant 0 : i32
          %dma_wait3A_640 = tpu.memref_slice %arg8[%run_scoped3A_409, %dma_wait3A_638, %dma_wait3A_639] : memref<2x800x64xf32, #tpu.memory_space<vmem>> -> memref<1x200x64xf32, #tpu.memory_space<vmem>>
          %dma_wait3A_641 = tpu.memref_squeeze %dma_wait3A_640 : memref<1x200x64xf32, #tpu.memory_space<vmem>> -> memref<200x64xf32, #tpu.memory_space<vmem>>
          tpu.wait_dma2 semaphore(%run_scoped3A_625 : memref<!tpu.dma_semaphore, #tpu.memory_space<semaphore_mem>>) src(%arg6 : memref<200x64xf32, #tpu.memory_space<vmem_shared>>) dst(%dma_wait3A_641 : memref<200x64xf32, #tpu.memory_space<vmem>>)
          tpu.yield
        }) : () -> ()
        %run_scoped3A_410 = arith.constant 0 : i32
        "tpu.region"() ({
          %run_scoped3A_625 = tpu.sem_alloc : memref<!tpu.dma_semaphore, #tpu.memory_space<semaphore_mem>>
          %dma_start3A_626 = arith.constant 0 : i32
          %dma_start3A_627 = tpu.memref_slice %arg7[%run_scoped3A_410, %dma_start3A_626] : memref<2x800xi32, #tpu.memory_space<vmem>> -> memref<1x800xi32, #tpu.memory_space<vmem>>
          %dma_start3A_628 = tpu.memref_squeeze %dma_start3A_627 : memref<1x800xi32, #tpu.memory_space<vmem>> -> memref<800xi32, #tpu.memory_space<vmem>>
          %dma_start3A_629 = tpu.memref_slice %arg2[%add3A_405] : memref<819200xi32, #tpu.memory_space<hbm>> -> memref<800xi32, #tpu.memory_space<hbm>>
          %dma_start3A_630 = arith.constant 0 : i32
          %dma_start3A_631 = tpu.memref_slice %arg7[%run_scoped3A_410, %dma_start3A_630] : memref<2x800xi32, #tpu.memory_space<vmem>> -> memref<1x800xi32, #tpu.memory_space<vmem>>
          %dma_start3A_632 = tpu.memref_squeeze %dma_start3A_631 : memref<1x800xi32, #tpu.memory_space<vmem>> -> memref<800xi32, #tpu.memory_space<vmem>>
          %dma_start3A_633 = tpu.memref_slice %arg2[%add3A_405] : memref<819200xi32, #tpu.memory_space<hbm>> -> memref<800xi32, #tpu.memory_space<hbm>>
          tpu.enqueue_dma source(%dma_start3A_633 : memref<800xi32, #tpu.memory_space<hbm>>) target(%dma_start3A_632 : memref<800xi32, #tpu.memory_space<vmem>>) target_semaphore(%run_scoped3A_625 : memref<!tpu.dma_semaphore, #tpu.memory_space<semaphore_mem>>)
          %dma_wait3A_634 = arith.constant 0 : i32
          %dma_wait3A_635 = tpu.memref_slice %arg7[%run_scoped3A_410, %dma_wait3A_634] : memref<2x800xi32, #tpu.memory_space<vmem>> -> memref<1x800xi32, #tpu.memory_space<vmem>>
          %dma_wait3A_636 = tpu.memref_squeeze %dma_wait3A_635 : memref<1x800xi32, #tpu.memory_space<vmem>> -> memref<800xi32, #tpu.memory_space<vmem>>
          %dma_wait3A_637 = tpu.memref_slice %arg2[%add3A_405] : memref<819200xi32, #tpu.memory_space<hbm>> -> memref<800xi32, #tpu.memory_space<hbm>>
          %dma_wait3A_638 = arith.constant 0 : i32
          %dma_wait3A_639 = tpu.memref_slice %arg7[%run_scoped3A_410, %dma_wait3A_638] : memref<2x800xi32, #tpu.memory_space<vmem>> -> memref<1x800xi32, #tpu.memory_space<vmem>>
          %dma_wait3A_640 = tpu.memref_squeeze %dma_wait3A_639 : memref<1x800xi32, #tpu.memory_space<vmem>> -> memref<800xi32, #tpu.memory_space<vmem>>
          %dma_wait3A_641 = tpu.memref_slice %arg2[%add3A_405] : memref<819200xi32, #tpu.memory_space<hbm>> -> memref<800xi32, #tpu.memory_space<hbm>>
          tpu.wait_dma2 semaphore(%run_scoped3A_625 : memref<!tpu.dma_semaphore, #tpu.memory_space<semaphore_mem>>) src(%dma_wait3A_641 : memref<800xi32, #tpu.memory_space<hbm>>) dst(%dma_wait3A_640 : memref<800xi32, #tpu.memory_space<vmem>>)
          tpu.yield
        }) : () -> ()
        %dma_start3A_411 = arith.constant 0 : i32
        %dma_start3A_412 = arith.constant 0 : i32
        %dma_start3A_413 = arith.constant 0 : i32
        %dma_start3A_414 = arith.constant 0 : i32
        %dma_start3A_415 = tpu.memref_slice %arg8[%dma_start3A_412, %dma_start3A_413, %dma_start3A_414] : memref<2x800x64xf32, #tpu.memory_space<vmem>> -> memref<1x800x64xf32, #tpu.memory_space<vmem>>
        %dma_start3A_416 = tpu.memref_squeeze %dma_start3A_415 : memref<1x800x64xf32, #tpu.memory_space<vmem>> -> memref<800x64xf32, #tpu.memory_space<vmem>>
        %dma_start3A_417 = arith.constant 0 : i32
        %dma_start3A_418 = arith.constant 0 : i32
        %dma_start3A_419 = tpu.memref_slice %dma_start3A_416[%dma_start3A_417, %dma_start3A_418] : memref<800x64xf32, #tpu.memory_space<vmem>> -> memref<128x64xf32, #tpu.memory_space<vmem>>
        %dma_start3A_420 = arith.constant 0 : i32
        %dma_start3A_421 = tpu.memref_slice %arg7[%dma_start3A_411, %dma_start3A_420] : memref<2x800xi32, #tpu.memory_space<vmem>> -> memref<1x800xi32, #tpu.memory_space<vmem>>
        %dma_start3A_422 = tpu.memref_squeeze %dma_start3A_421 : memref<1x800xi32, #tpu.memory_space<vmem>> -> memref<800xi32, #tpu.memory_space<vmem>>
        %dma_start3A_423 = arith.constant 0 : i32
        %dma_start3A_424 = tpu.memref_slice %dma_start3A_422[%dma_start3A_423] : memref<800xi32, #tpu.memory_space<vmem>> -> memref<128xi32, #tpu.memory_space<vmem>>
        %dma_start3A_425 = arith.constant 0 : i32
        %dma_start3A_426 = arith.constant 0 : i32
        %dma_start3A_427 = tpu.memref_slice %arg3[%dma_start3A_425, %dma_start3A_426] : memref<2000000x64xf32, #tpu.memory_space<hbm>> -> memref<2000000x64xf32, #tpu.memory_space<hbm>>
        tpu.enqueue_indirect_dma source(%dma_start3A_427 : memref<2000000x64xf32, #tpu.memory_space<hbm>>) target(%dma_start3A_419 : memref<128x64xf32, #tpu.memory_space<vmem>>) offsets(%dma_start3A_424 : memref<128xi32, #tpu.memory_space<vmem>>) semaphore(%arg9 : memref<!tpu.dma_semaphore, #tpu.memory_space<semaphore_mem>>) {add = true}
        %dma_start3A_428 = arith.constant 0 : i32
        %dma_start3A_429 = arith.constant 0 : i32
        %dma_start3A_430 = arith.constant 0 : i32
        %dma_start3A_431 = arith.constant 0 : i32
        %dma_start3A_432 = tpu.memref_slice %arg8[%dma_start3A_429, %dma_start3A_430, %dma_start3A_431] : memref<2x800x64xf32, #tpu.memory_space<vmem>> -> memref<1x800x64xf32, #tpu.memory_space<vmem>>
        %dma_start3A_433 = tpu.memref_squeeze %dma_start3A_432 : memref<1x800x64xf32, #tpu.memory_space<vmem>> -> memref<800x64xf32, #tpu.memory_space<vmem>>
        %dma_start3A_434 = arith.constant 128 : i32
        %dma_start3A_435 = arith.constant 0 : i32
        %dma_start3A_436 = tpu.memref_slice %dma_start3A_433[%dma_start3A_434, %dma_start3A_435] : memref<800x64xf32, #tpu.memory_space<vmem>> -> memref<128x64xf32, #tpu.memory_space<vmem>>
        %dma_start3A_437 = arith.constant 0 : i32
        %dma_start3A_438 = tpu.memref_slice %arg7[%dma_start3A_428, %dma_start3A_437] : memref<2x800xi32, #tpu.memory_space<vmem>> -> memref<1x800xi32, #tpu.memory_space<vmem>>
        %dma_start3A_439 = tpu.memref_squeeze %dma_start3A_438 : memref<1x800xi32, #tpu.memory_space<vmem>> -> memref<800xi32, #tpu.memory_space<vmem>>
        %dma_start3A_440 = arith.constant 128 : i32
        %dma_start3A_441 = tpu.memref_slice %dma_start3A_439[%dma_start3A_440] : memref<800xi32, #tpu.memory_space<vmem>> -> memref<128xi32, #tpu.memory_space<vmem>>
        %dma_start3A_442 = arith.constant 0 : i32
        %dma_start3A_443 = arith.constant 0 : i32
        %dma_start3A_444 = tpu.memref_slice %arg3[%dma_start3A_442, %dma_start3A_443] : memref<2000000x64xf32, #tpu.memory_space<hbm>> -> memref<2000000x64xf32, #tpu.memory_space<hbm>>
        tpu.enqueue_indirect_dma source(%dma_start3A_444 : memref<2000000x64xf32, #tpu.memory_space<hbm>>) target(%dma_start3A_436 : memref<128x64xf32, #tpu.memory_space<vmem>>) offsets(%dma_start3A_441 : memref<128xi32, #tpu.memory_space<vmem>>) semaphore(%arg9 : memref<!tpu.dma_semaphore, #tpu.memory_space<semaphore_mem>>) {add = true}
        %dma_start3A_445 = arith.constant 0 : i32
        %dma_start3A_446 = arith.constant 0 : i32
        %dma_start3A_447 = arith.constant 0 : i32
        %dma_start3A_448 = arith.constant 0 : i32
        %dma_start3A_449 = tpu.memref_slice %arg8[%dma_start3A_446, %dma_start3A_447, %dma_start3A_448] : memref<2x800x64xf32, #tpu.memory_space<vmem>> -> memref<1x800x64xf32, #tpu.memory_space<vmem>>
        %dma_start3A_450 = tpu.memref_squeeze %dma_start3A_449 : memref<1x800x64xf32, #tpu.memory_space<vmem>> -> memref<800x64xf32, #tpu.memory_space<vmem>>
        %dma_start3A_451 = arith.constant 256 : i32
        %dma_start3A_452 = arith.constant 0 : i32
        %dma_start3A_453 = tpu.memref_slice %dma_start3A_450[%dma_start3A_451, %dma_start3A_452] : memref<800x64xf32, #tpu.memory_space<vmem>> -> memref<128x64xf32, #tpu.memory_space<vmem>>
        %dma_start3A_454 = arith.constant 0 : i32
        %dma_start3A_455 = tpu.memref_slice %arg7[%dma_start3A_445, %dma_start3A_454] : memref<2x800xi32, #tpu.memory_space<vmem>> -> memref<1x800xi32, #tpu.memory_space<vmem>>
        %dma_start3A_456 = tpu.memref_squeeze %dma_start3A_455 : memref<1x800xi32, #tpu.memory_space<vmem>> -> memref<800xi32, #tpu.memory_space<vmem>>
        %dma_start3A_457 = arith.constant 256 : i32
        %dma_start3A_458 = tpu.memref_slice %dma_start3A_456[%dma_start3A_457] : memref<800xi32, #tpu.memory_space<vmem>> -> memref<128xi32, #tpu.memory_space<vmem>>
        %dma_start3A_459 = arith.constant 0 : i32
        %dma_start3A_460 = arith.constant 0 : i32
        %dma_start3A_461 = tpu.memref_slice %arg3[%dma_start3A_459, %dma_start3A_460] : memref<2000000x64xf32, #tpu.memory_space<hbm>> -> memref<2000000x64xf32, #tpu.memory_space<hbm>>
        tpu.enqueue_indirect_dma source(%dma_start3A_461 : memref<2000000x64xf32, #tpu.memory_space<hbm>>) target(%dma_start3A_453 : memref<128x64xf32, #tpu.memory_space<vmem>>) offsets(%dma_start3A_458 : memref<128xi32, #tpu.memory_space<vmem>>) semaphore(%arg9 : memref<!tpu.dma_semaphore, #tpu.memory_space<semaphore_mem>>) {add = true}
        %dma_start3A_462 = arith.constant 0 : i32
        %dma_start3A_463 = arith.constant 0 : i32
        %dma_start3A_464 = arith.constant 0 : i32
        %dma_start3A_465 = arith.constant 0 : i32
        %dma_start3A_466 = tpu.memref_slice %arg8[%dma_start3A_463, %dma_start3A_464, %dma_start3A_465] : memref<2x800x64xf32, #tpu.memory_space<vmem>> -> memref<1x800x64xf32, #tpu.memory_space<vmem>>
        %dma_start3A_467 = tpu.memref_squeeze %dma_start3A_466 : memref<1x800x64xf32, #tpu.memory_space<vmem>> -> memref<800x64xf32, #tpu.memory_space<vmem>>
        %dma_start3A_468 = arith.constant 384 : i32
        %dma_start3A_469 = arith.constant 0 : i32
        %dma_start3A_470 = tpu.memref_slice %dma_start3A_467[%dma_start3A_468, %dma_start3A_469] : memref<800x64xf32, #tpu.memory_space<vmem>> -> memref<128x64xf32, #tpu.memory_space<vmem>>
        %dma_start3A_471 = arith.constant 0 : i32
        %dma_start3A_472 = tpu.memref_slice %arg7[%dma_start3A_462, %dma_start3A_471] : memref<2x800xi32, #tpu.memory_space<vmem>> -> memref<1x800xi32, #tpu.memory_space<vmem>>
        %dma_start3A_473 = tpu.memref_squeeze %dma_start3A_472 : memref<1x800xi32, #tpu.memory_space<vmem>> -> memref<800xi32, #tpu.memory_space<vmem>>
        %dma_start3A_474 = arith.constant 384 : i32
        %dma_start3A_475 = tpu.memref_slice %dma_start3A_473[%dma_start3A_474] : memref<800xi32, #tpu.memory_space<vmem>> -> memref<128xi32, #tpu.memory_space<vmem>>
        %dma_start3A_476 = arith.constant 0 : i32
        %dma_start3A_477 = arith.constant 0 : i32
        %dma_start3A_478 = tpu.memref_slice %arg3[%dma_start3A_476, %dma_start3A_477] : memref<2000000x64xf32, #tpu.memory_space<hbm>> -> memref<2000000x64xf32, #tpu.memory_space<hbm>>
        tpu.enqueue_indirect_dma source(%dma_start3A_478 : memref<2000000x64xf32, #tpu.memory_space<hbm>>) target(%dma_start3A_470 : memref<128x64xf32, #tpu.memory_space<vmem>>) offsets(%dma_start3A_475 : memref<128xi32, #tpu.memory_space<vmem>>) semaphore(%arg9 : memref<!tpu.dma_semaphore, #tpu.memory_space<semaphore_mem>>) {add = true}
        %dma_start3A_479 = arith.constant 0 : i32
        %dma_start3A_480 = arith.constant 0 : i32
        %dma_start3A_481 = arith.constant 0 : i32
        %dma_start3A_482 = arith.constant 0 : i32
        %dma_start3A_483 = tpu.memref_slice %arg8[%dma_start3A_480, %dma_start3A_481, %dma_start3A_482] : memref<2x800x64xf32, #tpu.memory_space<vmem>> -> memref<1x800x64xf32, #tpu.memory_space<vmem>>
        %dma_start3A_484 = tpu.memref_squeeze %dma_start3A_483 : memref<1x800x64xf32, #tpu.memory_space<vmem>> -> memref<800x64xf32, #tpu.memory_space<vmem>>
        %dma_start3A_485 = arith.constant 512 : i32
        %dma_start3A_486 = arith.constant 0 : i32
        %dma_start3A_487 = tpu.memref_slice %dma_start3A_484[%dma_start3A_485, %dma_start3A_486] : memref<800x64xf32, #tpu.memory_space<vmem>> -> memref<128x64xf32, #tpu.memory_space<vmem>>
        %dma_start3A_488 = arith.constant 0 : i32
        %dma_start3A_489 = tpu.memref_slice %arg7[%dma_start3A_479, %dma_start3A_488] : memref<2x800xi32, #tpu.memory_space<vmem>> -> memref<1x800xi32, #tpu.memory_space<vmem>>
        %dma_start3A_490 = tpu.memref_squeeze %dma_start3A_489 : memref<1x800xi32, #tpu.memory_space<vmem>> -> memref<800xi32, #tpu.memory_space<vmem>>
        %dma_start3A_491 = arith.constant 512 : i32
        %dma_start3A_492 = tpu.memref_slice %dma_start3A_490[%dma_start3A_491] : memref<800xi32, #tpu.memory_space<vmem>> -> memref<128xi32, #tpu.memory_space<vmem>>
        %dma_start3A_493 = arith.constant 0 : i32
        %dma_start3A_494 = arith.constant 0 : i32
        %dma_start3A_495 = tpu.memref_slice %arg3[%dma_start3A_493, %dma_start3A_494] : memref<2000000x64xf32, #tpu.memory_space<hbm>> -> memref<2000000x64xf32, #tpu.memory_space<hbm>>
        tpu.enqueue_indirect_dma source(%dma_start3A_495 : memref<2000000x64xf32, #tpu.memory_space<hbm>>) target(%dma_start3A_487 : memref<128x64xf32, #tpu.memory_space<vmem>>) offsets(%dma_start3A_492 : memref<128xi32, #tpu.memory_space<vmem>>) semaphore(%arg9 : memref<!tpu.dma_semaphore, #tpu.memory_space<semaphore_mem>>) {add = true}
        %dma_start3A_496 = arith.constant 0 : i32
        %dma_start3A_497 = arith.constant 0 : i32
        %dma_start3A_498 = arith.constant 0 : i32
        %dma_start3A_499 = arith.constant 0 : i32
        %dma_start3A_500 = tpu.memref_slice %arg8[%dma_start3A_497, %dma_start3A_498, %dma_start3A_499] : memref<2x800x64xf32, #tpu.memory_space<vmem>> -> memref<1x800x64xf32, #tpu.memory_space<vmem>>
        %dma_start3A_501 = tpu.memref_squeeze %dma_start3A_500 : memref<1x800x64xf32, #tpu.memory_space<vmem>> -> memref<800x64xf32, #tpu.memory_space<vmem>>
        %dma_start3A_502 = arith.constant 640 : i32
        %dma_start3A_503 = arith.constant 0 : i32
        %dma_start3A_504 = tpu.memref_slice %dma_start3A_501[%dma_start3A_502, %dma_start3A_503] : memref<800x64xf32, #tpu.memory_space<vmem>> -> memref<128x64xf32, #tpu.memory_space<vmem>>
        %dma_start3A_505 = arith.constant 0 : i32
        %dma_start3A_506 = tpu.memref_slice %arg7[%dma_start3A_496, %dma_start3A_505] : memref<2x800xi32, #tpu.memory_space<vmem>> -> memref<1x800xi32, #tpu.memory_space<vmem>>
        %dma_start3A_507 = tpu.memref_squeeze %dma_start3A_506 : memref<1x800xi32, #tpu.memory_space<vmem>> -> memref<800xi32, #tpu.memory_space<vmem>>
        %dma_start3A_508 = arith.constant 640 : i32
        %dma_start3A_509 = tpu.memref_slice %dma_start3A_507[%dma_start3A_508] : memref<800xi32, #tpu.memory_space<vmem>> -> memref<128xi32, #tpu.memory_space<vmem>>
        %dma_start3A_510 = arith.constant 0 : i32
        %dma_start3A_511 = arith.constant 0 : i32
        %dma_start3A_512 = tpu.memref_slice %arg3[%dma_start3A_510, %dma_start3A_511] : memref<2000000x64xf32, #tpu.memory_space<hbm>> -> memref<2000000x64xf32, #tpu.memory_space<hbm>>
        tpu.enqueue_indirect_dma source(%dma_start3A_512 : memref<2000000x64xf32, #tpu.memory_space<hbm>>) target(%dma_start3A_504 : memref<128x64xf32, #tpu.memory_space<vmem>>) offsets(%dma_start3A_509 : memref<128xi32, #tpu.memory_space<vmem>>) semaphore(%arg9 : memref<!tpu.dma_semaphore, #tpu.memory_space<semaphore_mem>>) {add = true}
        %dma_start3A_513 = arith.constant 0 : i32
        %dma_start3A_514 = arith.constant 0 : i32
        %dma_start3A_515 = arith.constant 0 : i32
        %dma_start3A_516 = arith.constant 0 : i32
        %dma_start3A_517 = tpu.memref_slice %arg8[%dma_start3A_514, %dma_start3A_515, %dma_start3A_516] : memref<2x800x64xf32, #tpu.memory_space<vmem>> -> memref<1x800x64xf32, #tpu.memory_space<vmem>>
        %dma_start3A_518 = tpu.memref_squeeze %dma_start3A_517 : memref<1x800x64xf32, #tpu.memory_space<vmem>> -> memref<800x64xf32, #tpu.memory_space<vmem>>
        %dma_start3A_519 = arith.constant 768 : i32
        %dma_start3A_520 = arith.constant 0 : i32
        %dma_start3A_521 = tpu.memref_slice %dma_start3A_518[%dma_start3A_519, %dma_start3A_520] : memref<800x64xf32, #tpu.memory_space<vmem>> -> memref<32x64xf32, #tpu.memory_space<vmem>>
        %dma_start3A_522 = arith.constant 0 : i32
        %dma_start3A_523 = tpu.memref_slice %arg7[%dma_start3A_513, %dma_start3A_522] : memref<2x800xi32, #tpu.memory_space<vmem>> -> memref<1x800xi32, #tpu.memory_space<vmem>>
        %dma_start3A_524 = tpu.memref_squeeze %dma_start3A_523 : memref<1x800xi32, #tpu.memory_space<vmem>> -> memref<800xi32, #tpu.memory_space<vmem>>
        %dma_start3A_525 = arith.constant 768 : i32
        %dma_start3A_526 = tpu.memref_slice %dma_start3A_524[%dma_start3A_525] : memref<800xi32, #tpu.memory_space<vmem>> -> memref<32xi32, #tpu.memory_space<vmem>>
        %dma_start3A_527 = arith.constant 0 : i32
        %dma_start3A_528 = arith.constant 0 : i32
        %dma_start3A_529 = tpu.memref_slice %arg3[%dma_start3A_527, %dma_start3A_528] : memref<2000000x64xf32, #tpu.memory_space<hbm>> -> memref<2000000x64xf32, #tpu.memory_space<hbm>>
        tpu.enqueue_indirect_dma source(%dma_start3A_529 : memref<2000000x64xf32, #tpu.memory_space<hbm>>) target(%dma_start3A_521 : memref<32x64xf32, #tpu.memory_space<vmem>>) offsets(%dma_start3A_526 : memref<32xi32, #tpu.memory_space<vmem>>) semaphore(%arg9 : memref<!tpu.dma_semaphore, #tpu.memory_space<semaphore_mem>>) {add = true}
        %dma_wait3A_530 = arith.constant 1 : i32
        %dma_wait3A_531 = arith.constant 0 : i32
        %dma_wait3A_532 = arith.constant 0 : i32
        %dma_wait3A_533 = tpu.memref_slice %arg8[%dma_wait3A_530, %dma_wait3A_531, %dma_wait3A_532] : memref<2x800x64xf32, #tpu.memory_space<vmem>> -> memref<1x800x64xf32, #tpu.memory_space<vmem>>
        %dma_wait3A_534 = tpu.memref_squeeze %dma_wait3A_533 : memref<1x800x64xf32, #tpu.memory_space<vmem>> -> memref<800x64xf32, #tpu.memory_space<vmem>>
        %dma_wait3A_535 = arith.constant 0 : i32
        %dma_wait3A_536 = arith.constant 0 : i32
        %dma_wait3A_537 = tpu.memref_slice %arg3[%dma_wait3A_535, %dma_wait3A_536] : memref<2000000x64xf32, #tpu.memory_space<hbm>> -> memref<800x64xf32, #tpu.memory_space<hbm>>
        %dma_wait3A_538 = arith.constant 0 : i32
        %dma_wait3A_539 = arith.constant 0 : i32
        %dma_wait3A_540 = tpu.memref_slice %arg8[%dma_wait3A_530, %dma_wait3A_538, %dma_wait3A_539] : memref<2x800x64xf32, #tpu.memory_space<vmem>> -> memref<1x800x64xf32, #tpu.memory_space<vmem>>
        %dma_wait3A_541 = tpu.memref_squeeze %dma_wait3A_540 : memref<1x800x64xf32, #tpu.memory_space<vmem>> -> memref<800x64xf32, #tpu.memory_space<vmem>>
        %dma_wait3A_542 = arith.constant 0 : i32
        %dma_wait3A_543 = arith.constant 0 : i32
        %dma_wait3A_544 = tpu.memref_slice %arg3[%dma_wait3A_542, %dma_wait3A_543] : memref<2000000x64xf32, #tpu.memory_space<hbm>> -> memref<800x64xf32, #tpu.memory_space<hbm>>
        tpu.wait_dma2 semaphore(%arg10 : memref<!tpu.dma_semaphore, #tpu.memory_space<semaphore_mem>>) src(%dma_wait3A_544 : memref<800x64xf32, #tpu.memory_space<hbm>>) dst(%dma_wait3A_541 : memref<800x64xf32, #tpu.memory_space<vmem>>)
        %sub3A = arith.constant 1 : i32
        %sub3A_545 = arith.subi %add3A_387, %sub3A : i32
        %mul3A_546 = arith.constant 4 : i32
        %mul3A_547 = arith.muli %sub3A_545, %mul3A_546 : i32
        %add3A_548 = arith.addi %mul3A_4, %mul3A_547 : i32
        %add3A_549 = arith.constant 0 : i32
        %add3A_550 = arith.addi %add3A_548, %add3A_549 : i32
        %dma_start3A_551 = arith.constant 1 : i32
        %dma_start3A_552 = arith.constant 0 : i32
        %dma_start3A_553 = arith.constant 0 : i32
        %dma_start3A_554 = tpu.memref_slice %arg8[%dma_start3A_551, %dma_start3A_552, %dma_start3A_553] : memref<2x800x64xf32, #tpu.memory_space<vmem>> -> memref<1x200x64xf32, #tpu.memory_space<vmem>>
        %dma_start3A_555 = tpu.memref_squeeze %dma_start3A_554 : memref<1x200x64xf32, #tpu.memory_space<vmem>> -> memref<200x64xf32, #tpu.memory_space<vmem>>
        %dma_start3A_556 = arith.constant 0 : i32
        %dma_start3A_557 = arith.constant 0 : i32
        %dma_start3A_558 = tpu.memref_slice %arg5[%add3A_550, %dma_start3A_556, %dma_start3A_557] : memref<4096x200x128xf32, #tpu.memory_space<hbm>> -> memref<1x200x64xf32, #tpu.memory_space<hbm>>
        %dma_start3A_559 = tpu.memref_squeeze %dma_start3A_558 : memref<1x200x64xf32, #tpu.memory_space<hbm>> -> memref<200x64xf32, #tpu.memory_space<hbm>>
        %dma_start3A_560 = arith.constant 0 : i32
        %dma_start3A_561 = arith.constant 0 : i32
        %dma_start3A_562 = tpu.memref_slice %arg5[%add3A_550, %dma_start3A_560, %dma_start3A_561] : memref<4096x200x128xf32, #tpu.memory_space<hbm>> -> memref<1x200x64xf32, #tpu.memory_space<hbm>>
        %dma_start3A_563 = tpu.memref_squeeze %dma_start3A_562 : memref<1x200x64xf32, #tpu.memory_space<hbm>> -> memref<200x64xf32, #tpu.memory_space<hbm>>
        %dma_start3A_564 = arith.constant 0 : i32
        %dma_start3A_565 = arith.constant 0 : i32
        %dma_start3A_566 = tpu.memref_slice %arg8[%dma_start3A_551, %dma_start3A_564, %dma_start3A_565] : memref<2x800x64xf32, #tpu.memory_space<vmem>> -> memref<1x200x64xf32, #tpu.memory_space<vmem>>
        %dma_start3A_567 = tpu.memref_squeeze %dma_start3A_566 : memref<1x200x64xf32, #tpu.memory_space<vmem>> -> memref<200x64xf32, #tpu.memory_space<vmem>>
        tpu.enqueue_dma source(%dma_start3A_567 : memref<200x64xf32, #tpu.memory_space<vmem>>) target(%dma_start3A_563 : memref<200x64xf32, #tpu.memory_space<hbm>>) target_semaphore(%arg12 : memref<!tpu.dma_semaphore, #tpu.memory_space<semaphore_mem>>)
        %add3A_568 = arith.constant 1 : i32
        %add3A_569 = arith.addi %add3A_548, %add3A_568 : i32
        %dma_start3A_570 = arith.constant 1 : i32
        %dma_start3A_571 = arith.constant 200 : i32
        %dma_start3A_572 = arith.constant 0 : i32
        %dma_start3A_573 = tpu.memref_slice %arg8[%dma_start3A_570, %dma_start3A_571, %dma_start3A_572] : memref<2x800x64xf32, #tpu.memory_space<vmem>> -> memref<1x200x64xf32, #tpu.memory_space<vmem>>
        %dma_start3A_574 = tpu.memref_squeeze %dma_start3A_573 : memref<1x200x64xf32, #tpu.memory_space<vmem>> -> memref<200x64xf32, #tpu.memory_space<vmem>>
        %dma_start3A_575 = arith.constant 0 : i32
        %dma_start3A_576 = arith.constant 0 : i32
        %dma_start3A_577 = tpu.memref_slice %arg5[%add3A_569, %dma_start3A_575, %dma_start3A_576] : memref<4096x200x128xf32, #tpu.memory_space<hbm>> -> memref<1x200x64xf32, #tpu.memory_space<hbm>>
        %dma_start3A_578 = tpu.memref_squeeze %dma_start3A_577 : memref<1x200x64xf32, #tpu.memory_space<hbm>> -> memref<200x64xf32, #tpu.memory_space<hbm>>
        %dma_start3A_579 = arith.constant 0 : i32
        %dma_start3A_580 = arith.constant 0 : i32
        %dma_start3A_581 = tpu.memref_slice %arg5[%add3A_569, %dma_start3A_579, %dma_start3A_580] : memref<4096x200x128xf32, #tpu.memory_space<hbm>> -> memref<1x200x64xf32, #tpu.memory_space<hbm>>
        %dma_start3A_582 = tpu.memref_squeeze %dma_start3A_581 : memref<1x200x64xf32, #tpu.memory_space<hbm>> -> memref<200x64xf32, #tpu.memory_space<hbm>>
        %dma_start3A_583 = arith.constant 200 : i32
        %dma_start3A_584 = arith.constant 0 : i32
        %dma_start3A_585 = tpu.memref_slice %arg8[%dma_start3A_570, %dma_start3A_583, %dma_start3A_584] : memref<2x800x64xf32, #tpu.memory_space<vmem>> -> memref<1x200x64xf32, #tpu.memory_space<vmem>>
        %dma_start3A_586 = tpu.memref_squeeze %dma_start3A_585 : memref<1x200x64xf32, #tpu.memory_space<vmem>> -> memref<200x64xf32, #tpu.memory_space<vmem>>
        tpu.enqueue_dma source(%dma_start3A_586 : memref<200x64xf32, #tpu.memory_space<vmem>>) target(%dma_start3A_582 : memref<200x64xf32, #tpu.memory_space<hbm>>) target_semaphore(%arg12 : memref<!tpu.dma_semaphore, #tpu.memory_space<semaphore_mem>>)
        %add3A_587 = arith.constant 2 : i32
        %add3A_588 = arith.addi %add3A_548, %add3A_587 : i32
        %dma_start3A_589 = arith.constant 1 : i32
        %dma_start3A_590 = arith.constant 400 : i32
        %dma_start3A_591 = arith.constant 0 : i32
        %dma_start3A_592 = tpu.memref_slice %arg8[%dma_start3A_589, %dma_start3A_590, %dma_start3A_591] : memref<2x800x64xf32, #tpu.memory_space<vmem>> -> memref<1x200x64xf32, #tpu.memory_space<vmem>>
        %dma_start3A_593 = tpu.memref_squeeze %dma_start3A_592 : memref<1x200x64xf32, #tpu.memory_space<vmem>> -> memref<200x64xf32, #tpu.memory_space<vmem>>
        %dma_start3A_594 = arith.constant 0 : i32
        %dma_start3A_595 = arith.constant 0 : i32
        %dma_start3A_596 = tpu.memref_slice %arg5[%add3A_588, %dma_start3A_594, %dma_start3A_595] : memref<4096x200x128xf32, #tpu.memory_space<hbm>> -> memref<1x200x64xf32, #tpu.memory_space<hbm>>
        %dma_start3A_597 = tpu.memref_squeeze %dma_start3A_596 : memref<1x200x64xf32, #tpu.memory_space<hbm>> -> memref<200x64xf32, #tpu.memory_space<hbm>>
        %dma_start3A_598 = arith.constant 0 : i32
        %dma_start3A_599 = arith.constant 0 : i32
        %dma_start3A_600 = tpu.memref_slice %arg5[%add3A_588, %dma_start3A_598, %dma_start3A_599] : memref<4096x200x128xf32, #tpu.memory_space<hbm>> -> memref<1x200x64xf32, #tpu.memory_space<hbm>>
        %dma_start3A_601 = tpu.memref_squeeze %dma_start3A_600 : memref<1x200x64xf32, #tpu.memory_space<hbm>> -> memref<200x64xf32, #tpu.memory_space<hbm>>
        %dma_start3A_602 = arith.constant 400 : i32
        %dma_start3A_603 = arith.constant 0 : i32
        %dma_start3A_604 = tpu.memref_slice %arg8[%dma_start3A_589, %dma_start3A_602, %dma_start3A_603] : memref<2x800x64xf32, #tpu.memory_space<vmem>> -> memref<1x200x64xf32, #tpu.memory_space<vmem>>
        %dma_start3A_605 = tpu.memref_squeeze %dma_start3A_604 : memref<1x200x64xf32, #tpu.memory_space<vmem>> -> memref<200x64xf32, #tpu.memory_space<vmem>>
        tpu.enqueue_dma source(%dma_start3A_605 : memref<200x64xf32, #tpu.memory_space<vmem>>) target(%dma_start3A_601 : memref<200x64xf32, #tpu.memory_space<hbm>>) target_semaphore(%arg12 : memref<!tpu.dma_semaphore, #tpu.memory_space<semaphore_mem>>)
        %add3A_606 = arith.constant 3 : i32
        %add3A_607 = arith.addi %add3A_548, %add3A_606 : i32
        %dma_start3A_608 = arith.constant 1 : i32
        %dma_start3A_609 = arith.constant 600 : i32
        %dma_start3A_610 = arith.constant 0 : i32
        %dma_start3A_611 = tpu.memref_slice %arg8[%dma_start3A_608, %dma_start3A_609, %dma_start3A_610] : memref<2x800x64xf32, #tpu.memory_space<vmem>> -> memref<1x200x64xf32, #tpu.memory_space<vmem>>
        %dma_start3A_612 = tpu.memref_squeeze %dma_start3A_611 : memref<1x200x64xf32, #tpu.memory_space<vmem>> -> memref<200x64xf32, #tpu.memory_space<vmem>>
        %dma_start3A_613 = arith.constant 0 : i32
        %dma_start3A_614 = arith.constant 0 : i32
        %dma_start3A_615 = tpu.memref_slice %arg5[%add3A_607, %dma_start3A_613, %dma_start3A_614] : memref<4096x200x128xf32, #tpu.memory_space<hbm>> -> memref<1x200x64xf32, #tpu.memory_space<hbm>>
        %dma_start3A_616 = tpu.memref_squeeze %dma_start3A_615 : memref<1x200x64xf32, #tpu.memory_space<hbm>> -> memref<200x64xf32, #tpu.memory_space<hbm>>
        %dma_start3A_617 = arith.constant 0 : i32
        %dma_start3A_618 = arith.constant 0 : i32
        %dma_start3A_619 = tpu.memref_slice %arg5[%add3A_607, %dma_start3A_617, %dma_start3A_618] : memref<4096x200x128xf32, #tpu.memory_space<hbm>> -> memref<1x200x64xf32, #tpu.memory_space<hbm>>
        %dma_start3A_620 = tpu.memref_squeeze %dma_start3A_619 : memref<1x200x64xf32, #tpu.memory_space<hbm>> -> memref<200x64xf32, #tpu.memory_space<hbm>>
        %dma_start3A_621 = arith.constant 600 : i32
        %dma_start3A_622 = arith.constant 0 : i32
        %dma_start3A_623 = tpu.memref_slice %arg8[%dma_start3A_608, %dma_start3A_621, %dma_start3A_622] : memref<2x800x64xf32, #tpu.memory_space<vmem>> -> memref<1x200x64xf32, #tpu.memory_space<vmem>>
        %dma_start3A_624 = tpu.memref_squeeze %dma_start3A_623 : memref<1x200x64xf32, #tpu.memory_space<vmem>> -> memref<200x64xf32, #tpu.memory_space<vmem>>
        tpu.enqueue_dma source(%dma_start3A_624 : memref<200x64xf32, #tpu.memory_space<vmem>>) target(%dma_start3A_620 : memref<200x64xf32, #tpu.memory_space<hbm>>) target_semaphore(%arg12 : memref<!tpu.dma_semaphore, #tpu.memory_space<semaphore_mem>>)
      } else {
      }
      %eq3A_394 = arith.constant 1 : i32
      %eq3A_395 = arith.cmpi eq, %rem3A_388, %eq3A_394 : i32
      %convert_element_type3A_396 = arith.extui %eq3A_395 : i1 to i32
      %cond3A_397 = arith.constant 0 : i32
      %cond3A_398 = arith.cmpi ne, %convert_element_type3A_396, %cond3A_397 : i32
      scf.if %cond3A_398 {
        %ge3A = arith.constant 2 : i32
        %ge3A_399 = arith.cmpi sge, %add3A_387, %ge3A : i32
        %convert_element_type3A_400 = arith.extui %ge3A_399 : i1 to i32
        %cond3A_401 = arith.constant 0 : i32
        %cond3A_402 = arith.cmpi ne, %convert_element_type3A_400, %cond3A_401 : i32
        scf.if %cond3A_402 {
          %sub3A_625 = arith.constant 2 : i32
          %sub3A_626 = arith.subi %add3A_387, %sub3A_625 : i32
          %mul3A_627 = arith.constant 4 : i32
          %mul3A_628 = arith.muli %sub3A_626, %mul3A_627 : i32
          %add3A_629 = arith.addi %mul3A_4, %mul3A_628 : i32
          %add3A_630 = arith.constant 0 : i32
          %add3A_631 = arith.addi %add3A_629, %add3A_630 : i32
          %dma_wait3A_632 = arith.constant 1 : i32
          %dma_wait3A_633 = arith.constant 0 : i32
          %dma_wait3A_634 = arith.constant 0 : i32
          %dma_wait3A_635 = tpu.memref_slice %arg8[%dma_wait3A_632, %dma_wait3A_633, %dma_wait3A_634] : memref<2x800x64xf32, #tpu.memory_space<vmem>> -> memref<1x200x64xf32, #tpu.memory_space<vmem>>
          %dma_wait3A_636 = tpu.memref_squeeze %dma_wait3A_635 : memref<1x200x64xf32, #tpu.memory_space<vmem>> -> memref<200x64xf32, #tpu.memory_space<vmem>>
          %dma_wait3A_637 = arith.constant 0 : i32
          %dma_wait3A_638 = arith.constant 0 : i32
          %dma_wait3A_639 = tpu.memref_slice %arg5[%add3A_631, %dma_wait3A_637, %dma_wait3A_638] : memref<4096x200x128xf32, #tpu.memory_space<hbm>> -> memref<1x200x64xf32, #tpu.memory_space<hbm>>
          %dma_wait3A_640 = tpu.memref_squeeze %dma_wait3A_639 : memref<1x200x64xf32, #tpu.memory_space<hbm>> -> memref<200x64xf32, #tpu.memory_space<hbm>>
          %dma_wait3A_641 = arith.constant 0 : i32
          %dma_wait3A_642 = arith.constant 0 : i32
          %dma_wait3A_643 = tpu.memref_slice %arg5[%add3A_631, %dma_wait3A_641, %dma_wait3A_642] : memref<4096x200x128xf32, #tpu.memory_space<hbm>> -> memref<1x200x64xf32, #tpu.memory_space<hbm>>
          %dma_wait3A_644 = tpu.memref_squeeze %dma_wait3A_643 : memref<1x200x64xf32, #tpu.memory_space<hbm>> -> memref<200x64xf32, #tpu.memory_space<hbm>>
          %dma_wait3A_645 = arith.constant 0 : i32
          %dma_wait3A_646 = arith.constant 0 : i32
          %dma_wait3A_647 = tpu.memref_slice %arg8[%dma_wait3A_632, %dma_wait3A_645, %dma_wait3A_646] : memref<2x800x64xf32, #tpu.memory_space<vmem>> -> memref<1x200x64xf32, #tpu.memory_space<vmem>>
          %dma_wait3A_648 = tpu.memref_squeeze %dma_wait3A_647 : memref<1x200x64xf32, #tpu.memory_space<vmem>> -> memref<200x64xf32, #tpu.memory_space<vmem>>
          tpu.wait_dma2 semaphore(%arg12 : memref<!tpu.dma_semaphore, #tpu.memory_space<semaphore_mem>>) src(%dma_wait3A_648 : memref<200x64xf32, #tpu.memory_space<vmem>>) dst(%dma_wait3A_644 : memref<200x64xf32, #tpu.memory_space<hbm>>)
          %add3A_649 = arith.constant 1 : i32
          %add3A_650 = arith.addi %add3A_629, %add3A_649 : i32
          %dma_wait3A_651 = arith.constant 1 : i32
          %dma_wait3A_652 = arith.constant 200 : i32
          %dma_wait3A_653 = arith.constant 0 : i32
          %dma_wait3A_654 = tpu.memref_slice %arg8[%dma_wait3A_651, %dma_wait3A_652, %dma_wait3A_653] : memref<2x800x64xf32, #tpu.memory_space<vmem>> -> memref<1x200x64xf32, #tpu.memory_space<vmem>>
          %dma_wait3A_655 = tpu.memref_squeeze %dma_wait3A_654 : memref<1x200x64xf32, #tpu.memory_space<vmem>> -> memref<200x64xf32, #tpu.memory_space<vmem>>
          %dma_wait3A_656 = arith.constant 0 : i32
          %dma_wait3A_657 = arith.constant 0 : i32
          %dma_wait3A_658 = tpu.memref_slice %arg5[%add3A_650, %dma_wait3A_656, %dma_wait3A_657] : memref<4096x200x128xf32, #tpu.memory_space<hbm>> -> memref<1x200x64xf32, #tpu.memory_space<hbm>>
          %dma_wait3A_659 = tpu.memref_squeeze %dma_wait3A_658 : memref<1x200x64xf32, #tpu.memory_space<hbm>> -> memref<200x64xf32, #tpu.memory_space<hbm>>
          %dma_wait3A_660 = arith.constant 0 : i32
          %dma_wait3A_661 = arith.constant 0 : i32
          %dma_wait3A_662 = tpu.memref_slice %arg5[%add3A_650, %dma_wait3A_660, %dma_wait3A_661] : memref<4096x200x128xf32, #tpu.memory_space<hbm>> -> memref<1x200x64xf32, #tpu.memory_space<hbm>>
          %dma_wait3A_663 = tpu.memref_squeeze %dma_wait3A_662 : memref<1x200x64xf32, #tpu.memory_space<hbm>> -> memref<200x64xf32, #tpu.memory_space<hbm>>
          %dma_wait3A_664 = arith.constant 200 : i32
          %dma_wait3A_665 = arith.constant 0 : i32
          %dma_wait3A_666 = tpu.memref_slice %arg8[%dma_wait3A_651, %dma_wait3A_664, %dma_wait3A_665] : memref<2x800x64xf32, #tpu.memory_space<vmem>> -> memref<1x200x64xf32, #tpu.memory_space<vmem>>
          %dma_wait3A_667 = tpu.memref_squeeze %dma_wait3A_666 : memref<1x200x64xf32, #tpu.memory_space<vmem>> -> memref<200x64xf32, #tpu.memory_space<vmem>>
          tpu.wait_dma2 semaphore(%arg12 : memref<!tpu.dma_semaphore, #tpu.memory_space<semaphore_mem>>) src(%dma_wait3A_667 : memref<200x64xf32, #tpu.memory_space<vmem>>) dst(%dma_wait3A_663 : memref<200x64xf32, #tpu.memory_space<hbm>>)
          %add3A_668 = arith.constant 2 : i32
          %add3A_669 = arith.addi %add3A_629, %add3A_668 : i32
          %dma_wait3A_670 = arith.constant 1 : i32
          %dma_wait3A_671 = arith.constant 400 : i32
          %dma_wait3A_672 = arith.constant 0 : i32
          %dma_wait3A_673 = tpu.memref_slice %arg8[%dma_wait3A_670, %dma_wait3A_671, %dma_wait3A_672] : memref<2x800x64xf32, #tpu.memory_space<vmem>> -> memref<1x200x64xf32, #tpu.memory_space<vmem>>
          %dma_wait3A_674 = tpu.memref_squeeze %dma_wait3A_673 : memref<1x200x64xf32, #tpu.memory_space<vmem>> -> memref<200x64xf32, #tpu.memory_space<vmem>>
          %dma_wait3A_675 = arith.constant 0 : i32
          %dma_wait3A_676 = arith.constant 0 : i32
          %dma_wait3A_677 = tpu.memref_slice %arg5[%add3A_669, %dma_wait3A_675, %dma_wait3A_676] : memref<4096x200x128xf32, #tpu.memory_space<hbm>> -> memref<1x200x64xf32, #tpu.memory_space<hbm>>
          %dma_wait3A_678 = tpu.memref_squeeze %dma_wait3A_677 : memref<1x200x64xf32, #tpu.memory_space<hbm>> -> memref<200x64xf32, #tpu.memory_space<hbm>>
          %dma_wait3A_679 = arith.constant 0 : i32
          %dma_wait3A_680 = arith.constant 0 : i32
          %dma_wait3A_681 = tpu.memref_slice %arg5[%add3A_669, %dma_wait3A_679, %dma_wait3A_680] : memref<4096x200x128xf32, #tpu.memory_space<hbm>> -> memref<1x200x64xf32, #tpu.memory_space<hbm>>
          %dma_wait3A_682 = tpu.memref_squeeze %dma_wait3A_681 : memref<1x200x64xf32, #tpu.memory_space<hbm>> -> memref<200x64xf32, #tpu.memory_space<hbm>>
          %dma_wait3A_683 = arith.constant 400 : i32
          %dma_wait3A_684 = arith.constant 0 : i32
          %dma_wait3A_685 = tpu.memref_slice %arg8[%dma_wait3A_670, %dma_wait3A_683, %dma_wait3A_684] : memref<2x800x64xf32, #tpu.memory_space<vmem>> -> memref<1x200x64xf32, #tpu.memory_space<vmem>>
          %dma_wait3A_686 = tpu.memref_squeeze %dma_wait3A_685 : memref<1x200x64xf32, #tpu.memory_space<vmem>> -> memref<200x64xf32, #tpu.memory_space<vmem>>
          tpu.wait_dma2 semaphore(%arg12 : memref<!tpu.dma_semaphore, #tpu.memory_space<semaphore_mem>>) src(%dma_wait3A_686 : memref<200x64xf32, #tpu.memory_space<vmem>>) dst(%dma_wait3A_682 : memref<200x64xf32, #tpu.memory_space<hbm>>)
          %add3A_687 = arith.constant 3 : i32
          %add3A_688 = arith.addi %add3A_629, %add3A_687 : i32
          %dma_wait3A_689 = arith.constant 1 : i32
          %dma_wait3A_690 = arith.constant 600 : i32
          %dma_wait3A_691 = arith.constant 0 : i32
          %dma_wait3A_692 = tpu.memref_slice %arg8[%dma_wait3A_689, %dma_wait3A_690, %dma_wait3A_691] : memref<2x800x64xf32, #tpu.memory_space<vmem>> -> memref<1x200x64xf32, #tpu.memory_space<vmem>>
          %dma_wait3A_693 = tpu.memref_squeeze %dma_wait3A_692 : memref<1x200x64xf32, #tpu.memory_space<vmem>> -> memref<200x64xf32, #tpu.memory_space<vmem>>
          %dma_wait3A_694 = arith.constant 0 : i32
          %dma_wait3A_695 = arith.constant 0 : i32
          %dma_wait3A_696 = tpu.memref_slice %arg5[%add3A_688, %dma_wait3A_694, %dma_wait3A_695] : memref<4096x200x128xf32, #tpu.memory_space<hbm>> -> memref<1x200x64xf32, #tpu.memory_space<hbm>>
          %dma_wait3A_697 = tpu.memref_squeeze %dma_wait3A_696 : memref<1x200x64xf32, #tpu.memory_space<hbm>> -> memref<200x64xf32, #tpu.memory_space<hbm>>
          %dma_wait3A_698 = arith.constant 0 : i32
          %dma_wait3A_699 = arith.constant 0 : i32
          %dma_wait3A_700 = tpu.memref_slice %arg5[%add3A_688, %dma_wait3A_698, %dma_wait3A_699] : memref<4096x200x128xf32, #tpu.memory_space<hbm>> -> memref<1x200x64xf32, #tpu.memory_space<hbm>>
          %dma_wait3A_701 = tpu.memref_squeeze %dma_wait3A_700 : memref<1x200x64xf32, #tpu.memory_space<hbm>> -> memref<200x64xf32, #tpu.memory_space<hbm>>
          %dma_wait3A_702 = arith.constant 600 : i32
          %dma_wait3A_703 = arith.constant 0 : i32
          %dma_wait3A_704 = tpu.memref_slice %arg8[%dma_wait3A_689, %dma_wait3A_702, %dma_wait3A_703] : memref<2x800x64xf32, #tpu.memory_space<vmem>> -> memref<1x200x64xf32, #tpu.memory_space<vmem>>
          %dma_wait3A_705 = tpu.memref_squeeze %dma_wait3A_704 : memref<1x200x64xf32, #tpu.memory_space<vmem>> -> memref<200x64xf32, #tpu.memory_space<vmem>>
          tpu.wait_dma2 semaphore(%arg12 : memref<!tpu.dma_semaphore, #tpu.memory_space<semaphore_mem>>) src(%dma_wait3A_705 : memref<200x64xf32, #tpu.memory_space<vmem>>) dst(%dma_wait3A_701 : memref<200x64xf32, #tpu.memory_space<hbm>>)
        } else {
        }
        %mul3A_403 = arith.constant 800 : i32
        %mul3A_404 = arith.muli %add3A_387, %mul3A_403 : i32
        %add3A_405 = arith.addi %mul3A_2, %mul3A_404 : i32
        %run_scoped3A_406 = arith.constant 1 : i32
        "tpu.region"() ({
          %run_scoped3A_625 = tpu.sem_alloc : memref<!tpu.dma_semaphore, #tpu.memory_space<semaphore_mem>>
          %dma_start3A_626 = arith.constant 0 : i32
          %dma_start3A_627 = arith.constant 0 : i32
          %dma_start3A_628 = tpu.memref_slice %arg8[%run_scoped3A_406, %dma_start3A_626, %dma_start3A_627] : memref<2x800x64xf32, #tpu.memory_space<vmem>> -> memref<1x200x64xf32, #tpu.memory_space<vmem>>
          %dma_start3A_629 = tpu.memref_squeeze %dma_start3A_628 : memref<1x200x64xf32, #tpu.memory_space<vmem>> -> memref<200x64xf32, #tpu.memory_space<vmem>>
          %dma_start3A_630 = arith.constant 0 : i32
          %dma_start3A_631 = arith.constant 0 : i32
          %dma_start3A_632 = tpu.memref_slice %arg8[%run_scoped3A_406, %dma_start3A_630, %dma_start3A_631] : memref<2x800x64xf32, #tpu.memory_space<vmem>> -> memref<1x200x64xf32, #tpu.memory_space<vmem>>
          %dma_start3A_633 = tpu.memref_squeeze %dma_start3A_632 : memref<1x200x64xf32, #tpu.memory_space<vmem>> -> memref<200x64xf32, #tpu.memory_space<vmem>>
          tpu.enqueue_dma source(%arg6 : memref<200x64xf32, #tpu.memory_space<vmem_shared>>) target(%dma_start3A_633 : memref<200x64xf32, #tpu.memory_space<vmem>>) target_semaphore(%run_scoped3A_625 : memref<!tpu.dma_semaphore, #tpu.memory_space<semaphore_mem>>)
          %dma_wait3A_634 = arith.constant 0 : i32
          %dma_wait3A_635 = arith.constant 0 : i32
          %dma_wait3A_636 = tpu.memref_slice %arg8[%run_scoped3A_406, %dma_wait3A_634, %dma_wait3A_635] : memref<2x800x64xf32, #tpu.memory_space<vmem>> -> memref<1x200x64xf32, #tpu.memory_space<vmem>>
          %dma_wait3A_637 = tpu.memref_squeeze %dma_wait3A_636 : memref<1x200x64xf32, #tpu.memory_space<vmem>> -> memref<200x64xf32, #tpu.memory_space<vmem>>
          %dma_wait3A_638 = arith.constant 0 : i32
          %dma_wait3A_639 = arith.constant 0 : i32
          %dma_wait3A_640 = tpu.memref_slice %arg8[%run_scoped3A_406, %dma_wait3A_638, %dma_wait3A_639] : memref<2x800x64xf32, #tpu.memory_space<vmem>> -> memref<1x200x64xf32, #tpu.memory_space<vmem>>
          %dma_wait3A_641 = tpu.memref_squeeze %dma_wait3A_640 : memref<1x200x64xf32, #tpu.memory_space<vmem>> -> memref<200x64xf32, #tpu.memory_space<vmem>>
          tpu.wait_dma2 semaphore(%run_scoped3A_625 : memref<!tpu.dma_semaphore, #tpu.memory_space<semaphore_mem>>) src(%arg6 : memref<200x64xf32, #tpu.memory_space<vmem_shared>>) dst(%dma_wait3A_641 : memref<200x64xf32, #tpu.memory_space<vmem>>)
          tpu.yield
        }) : () -> ()
        %run_scoped3A_407 = arith.constant 1 : i32
        "tpu.region"() ({
          %run_scoped3A_625 = tpu.sem_alloc : memref<!tpu.dma_semaphore, #tpu.memory_space<semaphore_mem>>
          %dma_start3A_626 = arith.constant 200 : i32
          %dma_start3A_627 = arith.constant 0 : i32
          %dma_start3A_628 = tpu.memref_slice %arg8[%run_scoped3A_407, %dma_start3A_626, %dma_start3A_627] : memref<2x800x64xf32, #tpu.memory_space<vmem>> -> memref<1x200x64xf32, #tpu.memory_space<vmem>>
          %dma_start3A_629 = tpu.memref_squeeze %dma_start3A_628 : memref<1x200x64xf32, #tpu.memory_space<vmem>> -> memref<200x64xf32, #tpu.memory_space<vmem>>
          %dma_start3A_630 = arith.constant 200 : i32
          %dma_start3A_631 = arith.constant 0 : i32
          %dma_start3A_632 = tpu.memref_slice %arg8[%run_scoped3A_407, %dma_start3A_630, %dma_start3A_631] : memref<2x800x64xf32, #tpu.memory_space<vmem>> -> memref<1x200x64xf32, #tpu.memory_space<vmem>>
          %dma_start3A_633 = tpu.memref_squeeze %dma_start3A_632 : memref<1x200x64xf32, #tpu.memory_space<vmem>> -> memref<200x64xf32, #tpu.memory_space<vmem>>
          tpu.enqueue_dma source(%arg6 : memref<200x64xf32, #tpu.memory_space<vmem_shared>>) target(%dma_start3A_633 : memref<200x64xf32, #tpu.memory_space<vmem>>) target_semaphore(%run_scoped3A_625 : memref<!tpu.dma_semaphore, #tpu.memory_space<semaphore_mem>>)
          %dma_wait3A_634 = arith.constant 200 : i32
          %dma_wait3A_635 = arith.constant 0 : i32
          %dma_wait3A_636 = tpu.memref_slice %arg8[%run_scoped3A_407, %dma_wait3A_634, %dma_wait3A_635] : memref<2x800x64xf32, #tpu.memory_space<vmem>> -> memref<1x200x64xf32, #tpu.memory_space<vmem>>
          %dma_wait3A_637 = tpu.memref_squeeze %dma_wait3A_636 : memref<1x200x64xf32, #tpu.memory_space<vmem>> -> memref<200x64xf32, #tpu.memory_space<vmem>>
          %dma_wait3A_638 = arith.constant 200 : i32
          %dma_wait3A_639 = arith.constant 0 : i32
          %dma_wait3A_640 = tpu.memref_slice %arg8[%run_scoped3A_407, %dma_wait3A_638, %dma_wait3A_639] : memref<2x800x64xf32, #tpu.memory_space<vmem>> -> memref<1x200x64xf32, #tpu.memory_space<vmem>>
          %dma_wait3A_641 = tpu.memref_squeeze %dma_wait3A_640 : memref<1x200x64xf32, #tpu.memory_space<vmem>> -> memref<200x64xf32, #tpu.memory_space<vmem>>
          tpu.wait_dma2 semaphore(%run_scoped3A_625 : memref<!tpu.dma_semaphore, #tpu.memory_space<semaphore_mem>>) src(%arg6 : memref<200x64xf32, #tpu.memory_space<vmem_shared>>) dst(%dma_wait3A_641 : memref<200x64xf32, #tpu.memory_space<vmem>>)
          tpu.yield
        }) : () -> ()
        %run_scoped3A_408 = arith.constant 1 : i32
        "tpu.region"() ({
          %run_scoped3A_625 = tpu.sem_alloc : memref<!tpu.dma_semaphore, #tpu.memory_space<semaphore_mem>>
          %dma_start3A_626 = arith.constant 400 : i32
          %dma_start3A_627 = arith.constant 0 : i32
          %dma_start3A_628 = tpu.memref_slice %arg8[%run_scoped3A_408, %dma_start3A_626, %dma_start3A_627] : memref<2x800x64xf32, #tpu.memory_space<vmem>> -> memref<1x200x64xf32, #tpu.memory_space<vmem>>
          %dma_start3A_629 = tpu.memref_squeeze %dma_start3A_628 : memref<1x200x64xf32, #tpu.memory_space<vmem>> -> memref<200x64xf32, #tpu.memory_space<vmem>>
          %dma_start3A_630 = arith.constant 400 : i32
          %dma_start3A_631 = arith.constant 0 : i32
          %dma_start3A_632 = tpu.memref_slice %arg8[%run_scoped3A_408, %dma_start3A_630, %dma_start3A_631] : memref<2x800x64xf32, #tpu.memory_space<vmem>> -> memref<1x200x64xf32, #tpu.memory_space<vmem>>
          %dma_start3A_633 = tpu.memref_squeeze %dma_start3A_632 : memref<1x200x64xf32, #tpu.memory_space<vmem>> -> memref<200x64xf32, #tpu.memory_space<vmem>>
          tpu.enqueue_dma source(%arg6 : memref<200x64xf32, #tpu.memory_space<vmem_shared>>) target(%dma_start3A_633 : memref<200x64xf32, #tpu.memory_space<vmem>>) target_semaphore(%run_scoped3A_625 : memref<!tpu.dma_semaphore, #tpu.memory_space<semaphore_mem>>)
          %dma_wait3A_634 = arith.constant 400 : i32
          %dma_wait3A_635 = arith.constant 0 : i32
          %dma_wait3A_636 = tpu.memref_slice %arg8[%run_scoped3A_408, %dma_wait3A_634, %dma_wait3A_635] : memref<2x800x64xf32, #tpu.memory_space<vmem>> -> memref<1x200x64xf32, #tpu.memory_space<vmem>>
          %dma_wait3A_637 = tpu.memref_squeeze %dma_wait3A_636 : memref<1x200x64xf32, #tpu.memory_space<vmem>> -> memref<200x64xf32, #tpu.memory_space<vmem>>
          %dma_wait3A_638 = arith.constant 400 : i32
          %dma_wait3A_639 = arith.constant 0 : i32
          %dma_wait3A_640 = tpu.memref_slice %arg8[%run_scoped3A_408, %dma_wait3A_638, %dma_wait3A_639] : memref<2x800x64xf32, #tpu.memory_space<vmem>> -> memref<1x200x64xf32, #tpu.memory_space<vmem>>
          %dma_wait3A_641 = tpu.memref_squeeze %dma_wait3A_640 : memref<1x200x64xf32, #tpu.memory_space<vmem>> -> memref<200x64xf32, #tpu.memory_space<vmem>>
          tpu.wait_dma2 semaphore(%run_scoped3A_625 : memref<!tpu.dma_semaphore, #tpu.memory_space<semaphore_mem>>) src(%arg6 : memref<200x64xf32, #tpu.memory_space<vmem_shared>>) dst(%dma_wait3A_641 : memref<200x64xf32, #tpu.memory_space<vmem>>)
          tpu.yield
        }) : () -> ()
        %run_scoped3A_409 = arith.constant 1 : i32
        "tpu.region"() ({
          %run_scoped3A_625 = tpu.sem_alloc : memref<!tpu.dma_semaphore, #tpu.memory_space<semaphore_mem>>
          %dma_start3A_626 = arith.constant 600 : i32
          %dma_start3A_627 = arith.constant 0 : i32
          %dma_start3A_628 = tpu.memref_slice %arg8[%run_scoped3A_409, %dma_start3A_626, %dma_start3A_627] : memref<2x800x64xf32, #tpu.memory_space<vmem>> -> memref<1x200x64xf32, #tpu.memory_space<vmem>>
          %dma_start3A_629 = tpu.memref_squeeze %dma_start3A_628 : memref<1x200x64xf32, #tpu.memory_space<vmem>> -> memref<200x64xf32, #tpu.memory_space<vmem>>
          %dma_start3A_630 = arith.constant 600 : i32
          %dma_start3A_631 = arith.constant 0 : i32
          %dma_start3A_632 = tpu.memref_slice %arg8[%run_scoped3A_409, %dma_start3A_630, %dma_start3A_631] : memref<2x800x64xf32, #tpu.memory_space<vmem>> -> memref<1x200x64xf32, #tpu.memory_space<vmem>>
          %dma_start3A_633 = tpu.memref_squeeze %dma_start3A_632 : memref<1x200x64xf32, #tpu.memory_space<vmem>> -> memref<200x64xf32, #tpu.memory_space<vmem>>
          tpu.enqueue_dma source(%arg6 : memref<200x64xf32, #tpu.memory_space<vmem_shared>>) target(%dma_start3A_633 : memref<200x64xf32, #tpu.memory_space<vmem>>) target_semaphore(%run_scoped3A_625 : memref<!tpu.dma_semaphore, #tpu.memory_space<semaphore_mem>>)
          %dma_wait3A_634 = arith.constant 600 : i32
          %dma_wait3A_635 = arith.constant 0 : i32
          %dma_wait3A_636 = tpu.memref_slice %arg8[%run_scoped3A_409, %dma_wait3A_634, %dma_wait3A_635] : memref<2x800x64xf32, #tpu.memory_space<vmem>> -> memref<1x200x64xf32, #tpu.memory_space<vmem>>
          %dma_wait3A_637 = tpu.memref_squeeze %dma_wait3A_636 : memref<1x200x64xf32, #tpu.memory_space<vmem>> -> memref<200x64xf32, #tpu.memory_space<vmem>>
          %dma_wait3A_638 = arith.constant 600 : i32
          %dma_wait3A_639 = arith.constant 0 : i32
          %dma_wait3A_640 = tpu.memref_slice %arg8[%run_scoped3A_409, %dma_wait3A_638, %dma_wait3A_639] : memref<2x800x64xf32, #tpu.memory_space<vmem>> -> memref<1x200x64xf32, #tpu.memory_space<vmem>>
          %dma_wait3A_641 = tpu.memref_squeeze %dma_wait3A_640 : memref<1x200x64xf32, #tpu.memory_space<vmem>> -> memref<200x64xf32, #tpu.memory_space<vmem>>
          tpu.wait_dma2 semaphore(%run_scoped3A_625 : memref<!tpu.dma_semaphore, #tpu.memory_space<semaphore_mem>>) src(%arg6 : memref<200x64xf32, #tpu.memory_space<vmem_shared>>) dst(%dma_wait3A_641 : memref<200x64xf32, #tpu.memory_space<vmem>>)
          tpu.yield
        }) : () -> ()
        %run_scoped3A_410 = arith.constant 1 : i32
        "tpu.region"() ({
          %run_scoped3A_625 = tpu.sem_alloc : memref<!tpu.dma_semaphore, #tpu.memory_space<semaphore_mem>>
          %dma_start3A_626 = arith.constant 0 : i32
          %dma_start3A_627 = tpu.memref_slice %arg7[%run_scoped3A_410, %dma_start3A_626] : memref<2x800xi32, #tpu.memory_space<vmem>> -> memref<1x800xi32, #tpu.memory_space<vmem>>
          %dma_start3A_628 = tpu.memref_squeeze %dma_start3A_627 : memref<1x800xi32, #tpu.memory_space<vmem>> -> memref<800xi32, #tpu.memory_space<vmem>>
          %dma_start3A_629 = tpu.memref_slice %arg2[%add3A_405] : memref<819200xi32, #tpu.memory_space<hbm>> -> memref<800xi32, #tpu.memory_space<hbm>>
          %dma_start3A_630 = arith.constant 0 : i32
          %dma_start3A_631 = tpu.memref_slice %arg7[%run_scoped3A_410, %dma_start3A_630] : memref<2x800xi32, #tpu.memory_space<vmem>> -> memref<1x800xi32, #tpu.memory_space<vmem>>
          %dma_start3A_632 = tpu.memref_squeeze %dma_start3A_631 : memref<1x800xi32, #tpu.memory_space<vmem>> -> memref<800xi32, #tpu.memory_space<vmem>>
          %dma_start3A_633 = tpu.memref_slice %arg2[%add3A_405] : memref<819200xi32, #tpu.memory_space<hbm>> -> memref<800xi32, #tpu.memory_space<hbm>>
          tpu.enqueue_dma source(%dma_start3A_633 : memref<800xi32, #tpu.memory_space<hbm>>) target(%dma_start3A_632 : memref<800xi32, #tpu.memory_space<vmem>>) target_semaphore(%run_scoped3A_625 : memref<!tpu.dma_semaphore, #tpu.memory_space<semaphore_mem>>)
          %dma_wait3A_634 = arith.constant 0 : i32
          %dma_wait3A_635 = tpu.memref_slice %arg7[%run_scoped3A_410, %dma_wait3A_634] : memref<2x800xi32, #tpu.memory_space<vmem>> -> memref<1x800xi32, #tpu.memory_space<vmem>>
          %dma_wait3A_636 = tpu.memref_squeeze %dma_wait3A_635 : memref<1x800xi32, #tpu.memory_space<vmem>> -> memref<800xi32, #tpu.memory_space<vmem>>
          %dma_wait3A_637 = tpu.memref_slice %arg2[%add3A_405] : memref<819200xi32, #tpu.memory_space<hbm>> -> memref<800xi32, #tpu.memory_space<hbm>>
          %dma_wait3A_638 = arith.constant 0 : i32
          %dma_wait3A_639 = tpu.memref_slice %arg7[%run_scoped3A_410, %dma_wait3A_638] : memref<2x800xi32, #tpu.memory_space<vmem>> -> memref<1x800xi32, #tpu.memory_space<vmem>>
          %dma_wait3A_640 = tpu.memref_squeeze %dma_wait3A_639 : memref<1x800xi32, #tpu.memory_space<vmem>> -> memref<800xi32, #tpu.memory_space<vmem>>
          %dma_wait3A_641 = tpu.memref_slice %arg2[%add3A_405] : memref<819200xi32, #tpu.memory_space<hbm>> -> memref<800xi32, #tpu.memory_space<hbm>>
          tpu.wait_dma2 semaphore(%run_scoped3A_625 : memref<!tpu.dma_semaphore, #tpu.memory_space<semaphore_mem>>) src(%dma_wait3A_641 : memref<800xi32, #tpu.memory_space<hbm>>) dst(%dma_wait3A_640 : memref<800xi32, #tpu.memory_space<vmem>>)
          tpu.yield
        }) : () -> ()
        %dma_start3A_411 = arith.constant 1 : i32
        %dma_start3A_412 = arith.constant 1 : i32
        %dma_start3A_413 = arith.constant 0 : i32
        %dma_start3A_414 = arith.constant 0 : i32
        %dma_start3A_415 = tpu.memref_slice %arg8[%dma_start3A_412, %dma_start3A_413, %dma_start3A_414] : memref<2x800x64xf32, #tpu.memory_space<vmem>> -> memref<1x800x64xf32, #tpu.memory_space<vmem>>
        %dma_start3A_416 = tpu.memref_squeeze %dma_start3A_415 : memref<1x800x64xf32, #tpu.memory_space<vmem>> -> memref<800x64xf32, #tpu.memory_space<vmem>>
        %dma_start3A_417 = arith.constant 0 : i32
        %dma_start3A_418 = arith.constant 0 : i32
        %dma_start3A_419 = tpu.memref_slice %dma_start3A_416[%dma_start3A_417, %dma_start3A_418] : memref<800x64xf32, #tpu.memory_space<vmem>> -> memref<128x64xf32, #tpu.memory_space<vmem>>
        %dma_start3A_420 = arith.constant 0 : i32
        %dma_start3A_421 = tpu.memref_slice %arg7[%dma_start3A_411, %dma_start3A_420] : memref<2x800xi32, #tpu.memory_space<vmem>> -> memref<1x800xi32, #tpu.memory_space<vmem>>
        %dma_start3A_422 = tpu.memref_squeeze %dma_start3A_421 : memref<1x800xi32, #tpu.memory_space<vmem>> -> memref<800xi32, #tpu.memory_space<vmem>>
        %dma_start3A_423 = arith.constant 0 : i32
        %dma_start3A_424 = tpu.memref_slice %dma_start3A_422[%dma_start3A_423] : memref<800xi32, #tpu.memory_space<vmem>> -> memref<128xi32, #tpu.memory_space<vmem>>
        %dma_start3A_425 = arith.constant 0 : i32
        %dma_start3A_426 = arith.constant 0 : i32
        %dma_start3A_427 = tpu.memref_slice %arg3[%dma_start3A_425, %dma_start3A_426] : memref<2000000x64xf32, #tpu.memory_space<hbm>> -> memref<2000000x64xf32, #tpu.memory_space<hbm>>
        tpu.enqueue_indirect_dma source(%dma_start3A_427 : memref<2000000x64xf32, #tpu.memory_space<hbm>>) target(%dma_start3A_419 : memref<128x64xf32, #tpu.memory_space<vmem>>) offsets(%dma_start3A_424 : memref<128xi32, #tpu.memory_space<vmem>>) semaphore(%arg10 : memref<!tpu.dma_semaphore, #tpu.memory_space<semaphore_mem>>) {add = true}
        %dma_start3A_428 = arith.constant 1 : i32
        %dma_start3A_429 = arith.constant 1 : i32
        %dma_start3A_430 = arith.constant 0 : i32
        %dma_start3A_431 = arith.constant 0 : i32
        %dma_start3A_432 = tpu.memref_slice %arg8[%dma_start3A_429, %dma_start3A_430, %dma_start3A_431] : memref<2x800x64xf32, #tpu.memory_space<vmem>> -> memref<1x800x64xf32, #tpu.memory_space<vmem>>
        %dma_start3A_433 = tpu.memref_squeeze %dma_start3A_432 : memref<1x800x64xf32, #tpu.memory_space<vmem>> -> memref<800x64xf32, #tpu.memory_space<vmem>>
        %dma_start3A_434 = arith.constant 128 : i32
        %dma_start3A_435 = arith.constant 0 : i32
        %dma_start3A_436 = tpu.memref_slice %dma_start3A_433[%dma_start3A_434, %dma_start3A_435] : memref<800x64xf32, #tpu.memory_space<vmem>> -> memref<128x64xf32, #tpu.memory_space<vmem>>
        %dma_start3A_437 = arith.constant 0 : i32
        %dma_start3A_438 = tpu.memref_slice %arg7[%dma_start3A_428, %dma_start3A_437] : memref<2x800xi32, #tpu.memory_space<vmem>> -> memref<1x800xi32, #tpu.memory_space<vmem>>
        %dma_start3A_439 = tpu.memref_squeeze %dma_start3A_438 : memref<1x800xi32, #tpu.memory_space<vmem>> -> memref<800xi32, #tpu.memory_space<vmem>>
        %dma_start3A_440 = arith.constant 128 : i32
        %dma_start3A_441 = tpu.memref_slice %dma_start3A_439[%dma_start3A_440] : memref<800xi32, #tpu.memory_space<vmem>> -> memref<128xi32, #tpu.memory_space<vmem>>
        %dma_start3A_442 = arith.constant 0 : i32
        %dma_start3A_443 = arith.constant 0 : i32
        %dma_start3A_444 = tpu.memref_slice %arg3[%dma_start3A_442, %dma_start3A_443] : memref<2000000x64xf32, #tpu.memory_space<hbm>> -> memref<2000000x64xf32, #tpu.memory_space<hbm>>
        tpu.enqueue_indirect_dma source(%dma_start3A_444 : memref<2000000x64xf32, #tpu.memory_space<hbm>>) target(%dma_start3A_436 : memref<128x64xf32, #tpu.memory_space<vmem>>) offsets(%dma_start3A_441 : memref<128xi32, #tpu.memory_space<vmem>>) semaphore(%arg10 : memref<!tpu.dma_semaphore, #tpu.memory_space<semaphore_mem>>) {add = true}
        %dma_start3A_445 = arith.constant 1 : i32
        %dma_start3A_446 = arith.constant 1 : i32
        %dma_start3A_447 = arith.constant 0 : i32
        %dma_start3A_448 = arith.constant 0 : i32
        %dma_start3A_449 = tpu.memref_slice %arg8[%dma_start3A_446, %dma_start3A_447, %dma_start3A_448] : memref<2x800x64xf32, #tpu.memory_space<vmem>> -> memref<1x800x64xf32, #tpu.memory_space<vmem>>
        %dma_start3A_450 = tpu.memref_squeeze %dma_start3A_449 : memref<1x800x64xf32, #tpu.memory_space<vmem>> -> memref<800x64xf32, #tpu.memory_space<vmem>>
        %dma_start3A_451 = arith.constant 256 : i32
        %dma_start3A_452 = arith.constant 0 : i32
        %dma_start3A_453 = tpu.memref_slice %dma_start3A_450[%dma_start3A_451, %dma_start3A_452] : memref<800x64xf32, #tpu.memory_space<vmem>> -> memref<128x64xf32, #tpu.memory_space<vmem>>
        %dma_start3A_454 = arith.constant 0 : i32
        %dma_start3A_455 = tpu.memref_slice %arg7[%dma_start3A_445, %dma_start3A_454] : memref<2x800xi32, #tpu.memory_space<vmem>> -> memref<1x800xi32, #tpu.memory_space<vmem>>
        %dma_start3A_456 = tpu.memref_squeeze %dma_start3A_455 : memref<1x800xi32, #tpu.memory_space<vmem>> -> memref<800xi32, #tpu.memory_space<vmem>>
        %dma_start3A_457 = arith.constant 256 : i32
        %dma_start3A_458 = tpu.memref_slice %dma_start3A_456[%dma_start3A_457] : memref<800xi32, #tpu.memory_space<vmem>> -> memref<128xi32, #tpu.memory_space<vmem>>
        %dma_start3A_459 = arith.constant 0 : i32
        %dma_start3A_460 = arith.constant 0 : i32
        %dma_start3A_461 = tpu.memref_slice %arg3[%dma_start3A_459, %dma_start3A_460] : memref<2000000x64xf32, #tpu.memory_space<hbm>> -> memref<2000000x64xf32, #tpu.memory_space<hbm>>
        tpu.enqueue_indirect_dma source(%dma_start3A_461 : memref<2000000x64xf32, #tpu.memory_space<hbm>>) target(%dma_start3A_453 : memref<128x64xf32, #tpu.memory_space<vmem>>) offsets(%dma_start3A_458 : memref<128xi32, #tpu.memory_space<vmem>>) semaphore(%arg10 : memref<!tpu.dma_semaphore, #tpu.memory_space<semaphore_mem>>) {add = true}
        %dma_start3A_462 = arith.constant 1 : i32
        %dma_start3A_463 = arith.constant 1 : i32
        %dma_start3A_464 = arith.constant 0 : i32
        %dma_start3A_465 = arith.constant 0 : i32
        %dma_start3A_466 = tpu.memref_slice %arg8[%dma_start3A_463, %dma_start3A_464, %dma_start3A_465] : memref<2x800x64xf32, #tpu.memory_space<vmem>> -> memref<1x800x64xf32, #tpu.memory_space<vmem>>
        %dma_start3A_467 = tpu.memref_squeeze %dma_start3A_466 : memref<1x800x64xf32, #tpu.memory_space<vmem>> -> memref<800x64xf32, #tpu.memory_space<vmem>>
        %dma_start3A_468 = arith.constant 384 : i32
        %dma_start3A_469 = arith.constant 0 : i32
        %dma_start3A_470 = tpu.memref_slice %dma_start3A_467[%dma_start3A_468, %dma_start3A_469] : memref<800x64xf32, #tpu.memory_space<vmem>> -> memref<128x64xf32, #tpu.memory_space<vmem>>
        %dma_start3A_471 = arith.constant 0 : i32
        %dma_start3A_472 = tpu.memref_slice %arg7[%dma_start3A_462, %dma_start3A_471] : memref<2x800xi32, #tpu.memory_space<vmem>> -> memref<1x800xi32, #tpu.memory_space<vmem>>
        %dma_start3A_473 = tpu.memref_squeeze %dma_start3A_472 : memref<1x800xi32, #tpu.memory_space<vmem>> -> memref<800xi32, #tpu.memory_space<vmem>>
        %dma_start3A_474 = arith.constant 384 : i32
        %dma_start3A_475 = tpu.memref_slice %dma_start3A_473[%dma_start3A_474] : memref<800xi32, #tpu.memory_space<vmem>> -> memref<128xi32, #tpu.memory_space<vmem>>
        %dma_start3A_476 = arith.constant 0 : i32
        %dma_start3A_477 = arith.constant 0 : i32
        %dma_start3A_478 = tpu.memref_slice %arg3[%dma_start3A_476, %dma_start3A_477] : memref<2000000x64xf32, #tpu.memory_space<hbm>> -> memref<2000000x64xf32, #tpu.memory_space<hbm>>
        tpu.enqueue_indirect_dma source(%dma_start3A_478 : memref<2000000x64xf32, #tpu.memory_space<hbm>>) target(%dma_start3A_470 : memref<128x64xf32, #tpu.memory_space<vmem>>) offsets(%dma_start3A_475 : memref<128xi32, #tpu.memory_space<vmem>>) semaphore(%arg10 : memref<!tpu.dma_semaphore, #tpu.memory_space<semaphore_mem>>) {add = true}
        %dma_start3A_479 = arith.constant 1 : i32
        %dma_start3A_480 = arith.constant 1 : i32
        %dma_start3A_481 = arith.constant 0 : i32
        %dma_start3A_482 = arith.constant 0 : i32
        %dma_start3A_483 = tpu.memref_slice %arg8[%dma_start3A_480, %dma_start3A_481, %dma_start3A_482] : memref<2x800x64xf32, #tpu.memory_space<vmem>> -> memref<1x800x64xf32, #tpu.memory_space<vmem>>
        %dma_start3A_484 = tpu.memref_squeeze %dma_start3A_483 : memref<1x800x64xf32, #tpu.memory_space<vmem>> -> memref<800x64xf32, #tpu.memory_space<vmem>>
        %dma_start3A_485 = arith.constant 512 : i32
        %dma_start3A_486 = arith.constant 0 : i32
        %dma_start3A_487 = tpu.memref_slice %dma_start3A_484[%dma_start3A_485, %dma_start3A_486] : memref<800x64xf32, #tpu.memory_space<vmem>> -> memref<128x64xf32, #tpu.memory_space<vmem>>
        %dma_start3A_488 = arith.constant 0 : i32
        %dma_start3A_489 = tpu.memref_slice %arg7[%dma_start3A_479, %dma_start3A_488] : memref<2x800xi32, #tpu.memory_space<vmem>> -> memref<1x800xi32, #tpu.memory_space<vmem>>
        %dma_start3A_490 = tpu.memref_squeeze %dma_start3A_489 : memref<1x800xi32, #tpu.memory_space<vmem>> -> memref<800xi32, #tpu.memory_space<vmem>>
        %dma_start3A_491 = arith.constant 512 : i32
        %dma_start3A_492 = tpu.memref_slice %dma_start3A_490[%dma_start3A_491] : memref<800xi32, #tpu.memory_space<vmem>> -> memref<128xi32, #tpu.memory_space<vmem>>
        %dma_start3A_493 = arith.constant 0 : i32
        %dma_start3A_494 = arith.constant 0 : i32
        %dma_start3A_495 = tpu.memref_slice %arg3[%dma_start3A_493, %dma_start3A_494] : memref<2000000x64xf32, #tpu.memory_space<hbm>> -> memref<2000000x64xf32, #tpu.memory_space<hbm>>
        tpu.enqueue_indirect_dma source(%dma_start3A_495 : memref<2000000x64xf32, #tpu.memory_space<hbm>>) target(%dma_start3A_487 : memref<128x64xf32, #tpu.memory_space<vmem>>) offsets(%dma_start3A_492 : memref<128xi32, #tpu.memory_space<vmem>>) semaphore(%arg10 : memref<!tpu.dma_semaphore, #tpu.memory_space<semaphore_mem>>) {add = true}
        %dma_start3A_496 = arith.constant 1 : i32
        %dma_start3A_497 = arith.constant 1 : i32
        %dma_start3A_498 = arith.constant 0 : i32
        %dma_start3A_499 = arith.constant 0 : i32
        %dma_start3A_500 = tpu.memref_slice %arg8[%dma_start3A_497, %dma_start3A_498, %dma_start3A_499] : memref<2x800x64xf32, #tpu.memory_space<vmem>> -> memref<1x800x64xf32, #tpu.memory_space<vmem>>
        %dma_start3A_501 = tpu.memref_squeeze %dma_start3A_500 : memref<1x800x64xf32, #tpu.memory_space<vmem>> -> memref<800x64xf32, #tpu.memory_space<vmem>>
        %dma_start3A_502 = arith.constant 640 : i32
        %dma_start3A_503 = arith.constant 0 : i32
        %dma_start3A_504 = tpu.memref_slice %dma_start3A_501[%dma_start3A_502, %dma_start3A_503] : memref<800x64xf32, #tpu.memory_space<vmem>> -> memref<128x64xf32, #tpu.memory_space<vmem>>
        %dma_start3A_505 = arith.constant 0 : i32
        %dma_start3A_506 = tpu.memref_slice %arg7[%dma_start3A_496, %dma_start3A_505] : memref<2x800xi32, #tpu.memory_space<vmem>> -> memref<1x800xi32, #tpu.memory_space<vmem>>
        %dma_start3A_507 = tpu.memref_squeeze %dma_start3A_506 : memref<1x800xi32, #tpu.memory_space<vmem>> -> memref<800xi32, #tpu.memory_space<vmem>>
        %dma_start3A_508 = arith.constant 640 : i32
        %dma_start3A_509 = tpu.memref_slice %dma_start3A_507[%dma_start3A_508] : memref<800xi32, #tpu.memory_space<vmem>> -> memref<128xi32, #tpu.memory_space<vmem>>
        %dma_start3A_510 = arith.constant 0 : i32
        %dma_start3A_511 = arith.constant 0 : i32
        %dma_start3A_512 = tpu.memref_slice %arg3[%dma_start3A_510, %dma_start3A_511] : memref<2000000x64xf32, #tpu.memory_space<hbm>> -> memref<2000000x64xf32, #tpu.memory_space<hbm>>
        tpu.enqueue_indirect_dma source(%dma_start3A_512 : memref<2000000x64xf32, #tpu.memory_space<hbm>>) target(%dma_start3A_504 : memref<128x64xf32, #tpu.memory_space<vmem>>) offsets(%dma_start3A_509 : memref<128xi32, #tpu.memory_space<vmem>>) semaphore(%arg10 : memref<!tpu.dma_semaphore, #tpu.memory_space<semaphore_mem>>) {add = true}
        %dma_start3A_513 = arith.constant 1 : i32
        %dma_start3A_514 = arith.constant 1 : i32
        %dma_start3A_515 = arith.constant 0 : i32
        %dma_start3A_516 = arith.constant 0 : i32
        %dma_start3A_517 = tpu.memref_slice %arg8[%dma_start3A_514, %dma_start3A_515, %dma_start3A_516] : memref<2x800x64xf32, #tpu.memory_space<vmem>> -> memref<1x800x64xf32, #tpu.memory_space<vmem>>
        %dma_start3A_518 = tpu.memref_squeeze %dma_start3A_517 : memref<1x800x64xf32, #tpu.memory_space<vmem>> -> memref<800x64xf32, #tpu.memory_space<vmem>>
        %dma_start3A_519 = arith.constant 768 : i32
        %dma_start3A_520 = arith.constant 0 : i32
        %dma_start3A_521 = tpu.memref_slice %dma_start3A_518[%dma_start3A_519, %dma_start3A_520] : memref<800x64xf32, #tpu.memory_space<vmem>> -> memref<32x64xf32, #tpu.memory_space<vmem>>
        %dma_start3A_522 = arith.constant 0 : i32
        %dma_start3A_523 = tpu.memref_slice %arg7[%dma_start3A_513, %dma_start3A_522] : memref<2x800xi32, #tpu.memory_space<vmem>> -> memref<1x800xi32, #tpu.memory_space<vmem>>
        %dma_start3A_524 = tpu.memref_squeeze %dma_start3A_523 : memref<1x800xi32, #tpu.memory_space<vmem>> -> memref<800xi32, #tpu.memory_space<vmem>>
        %dma_start3A_525 = arith.constant 768 : i32
        %dma_start3A_526 = tpu.memref_slice %dma_start3A_524[%dma_start3A_525] : memref<800xi32, #tpu.memory_space<vmem>> -> memref<32xi32, #tpu.memory_space<vmem>>
        %dma_start3A_527 = arith.constant 0 : i32
        %dma_start3A_528 = arith.constant 0 : i32
        %dma_start3A_529 = tpu.memref_slice %arg3[%dma_start3A_527, %dma_start3A_528] : memref<2000000x64xf32, #tpu.memory_space<hbm>> -> memref<2000000x64xf32, #tpu.memory_space<hbm>>
        tpu.enqueue_indirect_dma source(%dma_start3A_529 : memref<2000000x64xf32, #tpu.memory_space<hbm>>) target(%dma_start3A_521 : memref<32x64xf32, #tpu.memory_space<vmem>>) offsets(%dma_start3A_526 : memref<32xi32, #tpu.memory_space<vmem>>) semaphore(%arg10 : memref<!tpu.dma_semaphore, #tpu.memory_space<semaphore_mem>>) {add = true}
        %dma_wait3A_530 = arith.constant 0 : i32
        %dma_wait3A_531 = arith.constant 0 : i32
        %dma_wait3A_532 = arith.constant 0 : i32
        %dma_wait3A_533 = tpu.memref_slice %arg8[%dma_wait3A_530, %dma_wait3A_531, %dma_wait3A_532] : memref<2x800x64xf32, #tpu.memory_space<vmem>> -> memref<1x800x64xf32, #tpu.memory_space<vmem>>
        %dma_wait3A_534 = tpu.memref_squeeze %dma_wait3A_533 : memref<1x800x64xf32, #tpu.memory_space<vmem>> -> memref<800x64xf32, #tpu.memory_space<vmem>>
        %dma_wait3A_535 = arith.constant 0 : i32
        %dma_wait3A_536 = arith.constant 0 : i32
        %dma_wait3A_537 = tpu.memref_slice %arg3[%dma_wait3A_535, %dma_wait3A_536] : memref<2000000x64xf32, #tpu.memory_space<hbm>> -> memref<800x64xf32, #tpu.memory_space<hbm>>
        %dma_wait3A_538 = arith.constant 0 : i32
        %dma_wait3A_539 = arith.constant 0 : i32
        %dma_wait3A_540 = tpu.memref_slice %arg8[%dma_wait3A_530, %dma_wait3A_538, %dma_wait3A_539] : memref<2x800x64xf32, #tpu.memory_space<vmem>> -> memref<1x800x64xf32, #tpu.memory_space<vmem>>
        %dma_wait3A_541 = tpu.memref_squeeze %dma_wait3A_540 : memref<1x800x64xf32, #tpu.memory_space<vmem>> -> memref<800x64xf32, #tpu.memory_space<vmem>>
        %dma_wait3A_542 = arith.constant 0 : i32
        %dma_wait3A_543 = arith.constant 0 : i32
        %dma_wait3A_544 = tpu.memref_slice %arg3[%dma_wait3A_542, %dma_wait3A_543] : memref<2000000x64xf32, #tpu.memory_space<hbm>> -> memref<800x64xf32, #tpu.memory_space<hbm>>
        tpu.wait_dma2 semaphore(%arg9 : memref<!tpu.dma_semaphore, #tpu.memory_space<semaphore_mem>>) src(%dma_wait3A_544 : memref<800x64xf32, #tpu.memory_space<hbm>>) dst(%dma_wait3A_541 : memref<800x64xf32, #tpu.memory_space<vmem>>)
        %sub3A = arith.constant 1 : i32
        %sub3A_545 = arith.subi %add3A_387, %sub3A : i32
        %mul3A_546 = arith.constant 4 : i32
        %mul3A_547 = arith.muli %sub3A_545, %mul3A_546 : i32
        %add3A_548 = arith.addi %mul3A_4, %mul3A_547 : i32
        %add3A_549 = arith.constant 0 : i32
        %add3A_550 = arith.addi %add3A_548, %add3A_549 : i32
        %dma_start3A_551 = arith.constant 0 : i32
        %dma_start3A_552 = arith.constant 0 : i32
        %dma_start3A_553 = arith.constant 0 : i32
        %dma_start3A_554 = tpu.memref_slice %arg8[%dma_start3A_551, %dma_start3A_552, %dma_start3A_553] : memref<2x800x64xf32, #tpu.memory_space<vmem>> -> memref<1x200x64xf32, #tpu.memory_space<vmem>>
        %dma_start3A_555 = tpu.memref_squeeze %dma_start3A_554 : memref<1x200x64xf32, #tpu.memory_space<vmem>> -> memref<200x64xf32, #tpu.memory_space<vmem>>
        %dma_start3A_556 = arith.constant 0 : i32
        %dma_start3A_557 = arith.constant 0 : i32
        %dma_start3A_558 = tpu.memref_slice %arg5[%add3A_550, %dma_start3A_556, %dma_start3A_557] : memref<4096x200x128xf32, #tpu.memory_space<hbm>> -> memref<1x200x64xf32, #tpu.memory_space<hbm>>
        %dma_start3A_559 = tpu.memref_squeeze %dma_start3A_558 : memref<1x200x64xf32, #tpu.memory_space<hbm>> -> memref<200x64xf32, #tpu.memory_space<hbm>>
        %dma_start3A_560 = arith.constant 0 : i32
        %dma_start3A_561 = arith.constant 0 : i32
        %dma_start3A_562 = tpu.memref_slice %arg5[%add3A_550, %dma_start3A_560, %dma_start3A_561] : memref<4096x200x128xf32, #tpu.memory_space<hbm>> -> memref<1x200x64xf32, #tpu.memory_space<hbm>>
        %dma_start3A_563 = tpu.memref_squeeze %dma_start3A_562 : memref<1x200x64xf32, #tpu.memory_space<hbm>> -> memref<200x64xf32, #tpu.memory_space<hbm>>
        %dma_start3A_564 = arith.constant 0 : i32
        %dma_start3A_565 = arith.constant 0 : i32
        %dma_start3A_566 = tpu.memref_slice %arg8[%dma_start3A_551, %dma_start3A_564, %dma_start3A_565] : memref<2x800x64xf32, #tpu.memory_space<vmem>> -> memref<1x200x64xf32, #tpu.memory_space<vmem>>
        %dma_start3A_567 = tpu.memref_squeeze %dma_start3A_566 : memref<1x200x64xf32, #tpu.memory_space<vmem>> -> memref<200x64xf32, #tpu.memory_space<vmem>>
        tpu.enqueue_dma source(%dma_start3A_567 : memref<200x64xf32, #tpu.memory_space<vmem>>) target(%dma_start3A_563 : memref<200x64xf32, #tpu.memory_space<hbm>>) target_semaphore(%arg11 : memref<!tpu.dma_semaphore, #tpu.memory_space<semaphore_mem>>)
        %add3A_568 = arith.constant 1 : i32
        %add3A_569 = arith.addi %add3A_548, %add3A_568 : i32
        %dma_start3A_570 = arith.constant 0 : i32
        %dma_start3A_571 = arith.constant 200 : i32
        %dma_start3A_572 = arith.constant 0 : i32
        %dma_start3A_573 = tpu.memref_slice %arg8[%dma_start3A_570, %dma_start3A_571, %dma_start3A_572] : memref<2x800x64xf32, #tpu.memory_space<vmem>> -> memref<1x200x64xf32, #tpu.memory_space<vmem>>
        %dma_start3A_574 = tpu.memref_squeeze %dma_start3A_573 : memref<1x200x64xf32, #tpu.memory_space<vmem>> -> memref<200x64xf32, #tpu.memory_space<vmem>>
        %dma_start3A_575 = arith.constant 0 : i32
        %dma_start3A_576 = arith.constant 0 : i32
        %dma_start3A_577 = tpu.memref_slice %arg5[%add3A_569, %dma_start3A_575, %dma_start3A_576] : memref<4096x200x128xf32, #tpu.memory_space<hbm>> -> memref<1x200x64xf32, #tpu.memory_space<hbm>>
        %dma_start3A_578 = tpu.memref_squeeze %dma_start3A_577 : memref<1x200x64xf32, #tpu.memory_space<hbm>> -> memref<200x64xf32, #tpu.memory_space<hbm>>
        %dma_start3A_579 = arith.constant 0 : i32
        %dma_start3A_580 = arith.constant 0 : i32
        %dma_start3A_581 = tpu.memref_slice %arg5[%add3A_569, %dma_start3A_579, %dma_start3A_580] : memref<4096x200x128xf32, #tpu.memory_space<hbm>> -> memref<1x200x64xf32, #tpu.memory_space<hbm>>
        %dma_start3A_582 = tpu.memref_squeeze %dma_start3A_581 : memref<1x200x64xf32, #tpu.memory_space<hbm>> -> memref<200x64xf32, #tpu.memory_space<hbm>>
        %dma_start3A_583 = arith.constant 200 : i32
        %dma_start3A_584 = arith.constant 0 : i32
        %dma_start3A_585 = tpu.memref_slice %arg8[%dma_start3A_570, %dma_start3A_583, %dma_start3A_584] : memref<2x800x64xf32, #tpu.memory_space<vmem>> -> memref<1x200x64xf32, #tpu.memory_space<vmem>>
        %dma_start3A_586 = tpu.memref_squeeze %dma_start3A_585 : memref<1x200x64xf32, #tpu.memory_space<vmem>> -> memref<200x64xf32, #tpu.memory_space<vmem>>
        tpu.enqueue_dma source(%dma_start3A_586 : memref<200x64xf32, #tpu.memory_space<vmem>>) target(%dma_start3A_582 : memref<200x64xf32, #tpu.memory_space<hbm>>) target_semaphore(%arg11 : memref<!tpu.dma_semaphore, #tpu.memory_space<semaphore_mem>>)
        %add3A_587 = arith.constant 2 : i32
        %add3A_588 = arith.addi %add3A_548, %add3A_587 : i32
        %dma_start3A_589 = arith.constant 0 : i32
        %dma_start3A_590 = arith.constant 400 : i32
        %dma_start3A_591 = arith.constant 0 : i32
        %dma_start3A_592 = tpu.memref_slice %arg8[%dma_start3A_589, %dma_start3A_590, %dma_start3A_591] : memref<2x800x64xf32, #tpu.memory_space<vmem>> -> memref<1x200x64xf32, #tpu.memory_space<vmem>>
        %dma_start3A_593 = tpu.memref_squeeze %dma_start3A_592 : memref<1x200x64xf32, #tpu.memory_space<vmem>> -> memref<200x64xf32, #tpu.memory_space<vmem>>
        %dma_start3A_594 = arith.constant 0 : i32
        %dma_start3A_595 = arith.constant 0 : i32
        %dma_start3A_596 = tpu.memref_slice %arg5[%add3A_588, %dma_start3A_594, %dma_start3A_595] : memref<4096x200x128xf32, #tpu.memory_space<hbm>> -> memref<1x200x64xf32, #tpu.memory_space<hbm>>
        %dma_start3A_597 = tpu.memref_squeeze %dma_start3A_596 : memref<1x200x64xf32, #tpu.memory_space<hbm>> -> memref<200x64xf32, #tpu.memory_space<hbm>>
        %dma_start3A_598 = arith.constant 0 : i32
        %dma_start3A_599 = arith.constant 0 : i32
        %dma_start3A_600 = tpu.memref_slice %arg5[%add3A_588, %dma_start3A_598, %dma_start3A_599] : memref<4096x200x128xf32, #tpu.memory_space<hbm>> -> memref<1x200x64xf32, #tpu.memory_space<hbm>>
        %dma_start3A_601 = tpu.memref_squeeze %dma_start3A_600 : memref<1x200x64xf32, #tpu.memory_space<hbm>> -> memref<200x64xf32, #tpu.memory_space<hbm>>
        %dma_start3A_602 = arith.constant 400 : i32
        %dma_start3A_603 = arith.constant 0 : i32
        %dma_start3A_604 = tpu.memref_slice %arg8[%dma_start3A_589, %dma_start3A_602, %dma_start3A_603] : memref<2x800x64xf32, #tpu.memory_space<vmem>> -> memref<1x200x64xf32, #tpu.memory_space<vmem>>
        %dma_start3A_605 = tpu.memref_squeeze %dma_start3A_604 : memref<1x200x64xf32, #tpu.memory_space<vmem>> -> memref<200x64xf32, #tpu.memory_space<vmem>>
        tpu.enqueue_dma source(%dma_start3A_605 : memref<200x64xf32, #tpu.memory_space<vmem>>) target(%dma_start3A_601 : memref<200x64xf32, #tpu.memory_space<hbm>>) target_semaphore(%arg11 : memref<!tpu.dma_semaphore, #tpu.memory_space<semaphore_mem>>)
        %add3A_606 = arith.constant 3 : i32
        %add3A_607 = arith.addi %add3A_548, %add3A_606 : i32
        %dma_start3A_608 = arith.constant 0 : i32
        %dma_start3A_609 = arith.constant 600 : i32
        %dma_start3A_610 = arith.constant 0 : i32
        %dma_start3A_611 = tpu.memref_slice %arg8[%dma_start3A_608, %dma_start3A_609, %dma_start3A_610] : memref<2x800x64xf32, #tpu.memory_space<vmem>> -> memref<1x200x64xf32, #tpu.memory_space<vmem>>
        %dma_start3A_612 = tpu.memref_squeeze %dma_start3A_611 : memref<1x200x64xf32, #tpu.memory_space<vmem>> -> memref<200x64xf32, #tpu.memory_space<vmem>>
        %dma_start3A_613 = arith.constant 0 : i32
        %dma_start3A_614 = arith.constant 0 : i32
        %dma_start3A_615 = tpu.memref_slice %arg5[%add3A_607, %dma_start3A_613, %dma_start3A_614] : memref<4096x200x128xf32, #tpu.memory_space<hbm>> -> memref<1x200x64xf32, #tpu.memory_space<hbm>>
        %dma_start3A_616 = tpu.memref_squeeze %dma_start3A_615 : memref<1x200x64xf32, #tpu.memory_space<hbm>> -> memref<200x64xf32, #tpu.memory_space<hbm>>
        %dma_start3A_617 = arith.constant 0 : i32
        %dma_start3A_618 = arith.constant 0 : i32
        %dma_start3A_619 = tpu.memref_slice %arg5[%add3A_607, %dma_start3A_617, %dma_start3A_618] : memref<4096x200x128xf32, #tpu.memory_space<hbm>> -> memref<1x200x64xf32, #tpu.memory_space<hbm>>
        %dma_start3A_620 = tpu.memref_squeeze %dma_start3A_619 : memref<1x200x64xf32, #tpu.memory_space<hbm>> -> memref<200x64xf32, #tpu.memory_space<hbm>>
        %dma_start3A_621 = arith.constant 600 : i32
        %dma_start3A_622 = arith.constant 0 : i32
        %dma_start3A_623 = tpu.memref_slice %arg8[%dma_start3A_608, %dma_start3A_621, %dma_start3A_622] : memref<2x800x64xf32, #tpu.memory_space<vmem>> -> memref<1x200x64xf32, #tpu.memory_space<vmem>>
        %dma_start3A_624 = tpu.memref_squeeze %dma_start3A_623 : memref<1x200x64xf32, #tpu.memory_space<vmem>> -> memref<200x64xf32, #tpu.memory_space<vmem>>
        tpu.enqueue_dma source(%dma_start3A_624 : memref<200x64xf32, #tpu.memory_space<vmem>>) target(%dma_start3A_620 : memref<200x64xf32, #tpu.memory_space<hbm>>) target_semaphore(%arg11 : memref<!tpu.dma_semaphore, #tpu.memory_space<semaphore_mem>>)
      } else {
      }
    }
    %scan3A_134 = arith.constant 31 : i32
    %dma_wait3A = arith.constant 1 : i32
    %dma_wait3A_135 = arith.constant 0 : i32
    %dma_wait3A_136 = arith.constant 0 : i32
    %dma_wait3A_137 = tpu.memref_slice %arg8[%dma_wait3A, %dma_wait3A_135, %dma_wait3A_136] : memref<2x800x64xf32, #tpu.memory_space<vmem>> -> memref<1x800x64xf32, #tpu.memory_space<vmem>>
    %dma_wait3A_138 = tpu.memref_squeeze %dma_wait3A_137 : memref<1x800x64xf32, #tpu.memory_space<vmem>> -> memref<800x64xf32, #tpu.memory_space<vmem>>
    %dma_wait3A_139 = arith.constant 0 : i32
    %dma_wait3A_140 = arith.constant 0 : i32
    %dma_wait3A_141 = tpu.memref_slice %arg3[%dma_wait3A_139, %dma_wait3A_140] : memref<2000000x64xf32, #tpu.memory_space<hbm>> -> memref<800x64xf32, #tpu.memory_space<hbm>>
    %dma_wait3A_142 = arith.constant 0 : i32
    %dma_wait3A_143 = arith.constant 0 : i32
    %dma_wait3A_144 = tpu.memref_slice %arg8[%dma_wait3A, %dma_wait3A_142, %dma_wait3A_143] : memref<2x800x64xf32, #tpu.memory_space<vmem>> -> memref<1x800x64xf32, #tpu.memory_space<vmem>>
    %dma_wait3A_145 = tpu.memref_squeeze %dma_wait3A_144 : memref<1x800x64xf32, #tpu.memory_space<vmem>> -> memref<800x64xf32, #tpu.memory_space<vmem>>
    %dma_wait3A_146 = arith.constant 0 : i32
    %dma_wait3A_147 = arith.constant 0 : i32
    %dma_wait3A_148 = tpu.memref_slice %arg3[%dma_wait3A_146, %dma_wait3A_147] : memref<2000000x64xf32, #tpu.memory_space<hbm>> -> memref<800x64xf32, #tpu.memory_space<hbm>>
    tpu.wait_dma2 semaphore(%arg10 : memref<!tpu.dma_semaphore, #tpu.memory_space<semaphore_mem>>) src(%dma_wait3A_148 : memref<800x64xf32, #tpu.memory_space<hbm>>) dst(%dma_wait3A_145 : memref<800x64xf32, #tpu.memory_space<vmem>>)
    %add3A_149 = arith.constant 124 : i32
    %add3A_150 = arith.addi %mul3A_4, %add3A_149 : i32
    %add3A_151 = arith.constant 0 : i32
    %add3A_152 = arith.addi %add3A_150, %add3A_151 : i32
    %dma_start3A_153 = arith.constant 1 : i32
    %dma_start3A_154 = arith.constant 0 : i32
    %dma_start3A_155 = arith.constant 0 : i32
    %dma_start3A_156 = tpu.memref_slice %arg8[%dma_start3A_153, %dma_start3A_154, %dma_start3A_155] : memref<2x800x64xf32, #tpu.memory_space<vmem>> -> memref<1x200x64xf32, #tpu.memory_space<vmem>>
    %dma_start3A_157 = tpu.memref_squeeze %dma_start3A_156 : memref<1x200x64xf32, #tpu.memory_space<vmem>> -> memref<200x64xf32, #tpu.memory_space<vmem>>
    %dma_start3A_158 = arith.constant 0 : i32
    %dma_start3A_159 = arith.constant 0 : i32
    %dma_start3A_160 = tpu.memref_slice %arg5[%add3A_152, %dma_start3A_158, %dma_start3A_159] : memref<4096x200x128xf32, #tpu.memory_space<hbm>> -> memref<1x200x64xf32, #tpu.memory_space<hbm>>
    %dma_start3A_161 = tpu.memref_squeeze %dma_start3A_160 : memref<1x200x64xf32, #tpu.memory_space<hbm>> -> memref<200x64xf32, #tpu.memory_space<hbm>>
    %dma_start3A_162 = arith.constant 0 : i32
    %dma_start3A_163 = arith.constant 0 : i32
    %dma_start3A_164 = tpu.memref_slice %arg5[%add3A_152, %dma_start3A_162, %dma_start3A_163] : memref<4096x200x128xf32, #tpu.memory_space<hbm>> -> memref<1x200x64xf32, #tpu.memory_space<hbm>>
    %dma_start3A_165 = tpu.memref_squeeze %dma_start3A_164 : memref<1x200x64xf32, #tpu.memory_space<hbm>> -> memref<200x64xf32, #tpu.memory_space<hbm>>
    %dma_start3A_166 = arith.constant 0 : i32
    %dma_start3A_167 = arith.constant 0 : i32
    %dma_start3A_168 = tpu.memref_slice %arg8[%dma_start3A_153, %dma_start3A_166, %dma_start3A_167] : memref<2x800x64xf32, #tpu.memory_space<vmem>> -> memref<1x200x64xf32, #tpu.memory_space<vmem>>
    %dma_start3A_169 = tpu.memref_squeeze %dma_start3A_168 : memref<1x200x64xf32, #tpu.memory_space<vmem>> -> memref<200x64xf32, #tpu.memory_space<vmem>>
    tpu.enqueue_dma source(%dma_start3A_169 : memref<200x64xf32, #tpu.memory_space<vmem>>) target(%dma_start3A_165 : memref<200x64xf32, #tpu.memory_space<hbm>>) target_semaphore(%arg12 : memref<!tpu.dma_semaphore, #tpu.memory_space<semaphore_mem>>)
    %add3A_170 = arith.constant 1 : i32
    %add3A_171 = arith.addi %add3A_150, %add3A_170 : i32
    %dma_start3A_172 = arith.constant 1 : i32
    %dma_start3A_173 = arith.constant 200 : i32
    %dma_start3A_174 = arith.constant 0 : i32
    %dma_start3A_175 = tpu.memref_slice %arg8[%dma_start3A_172, %dma_start3A_173, %dma_start3A_174] : memref<2x800x64xf32, #tpu.memory_space<vmem>> -> memref<1x200x64xf32, #tpu.memory_space<vmem>>
    %dma_start3A_176 = tpu.memref_squeeze %dma_start3A_175 : memref<1x200x64xf32, #tpu.memory_space<vmem>> -> memref<200x64xf32, #tpu.memory_space<vmem>>
    %dma_start3A_177 = arith.constant 0 : i32
    %dma_start3A_178 = arith.constant 0 : i32
    %dma_start3A_179 = tpu.memref_slice %arg5[%add3A_171, %dma_start3A_177, %dma_start3A_178] : memref<4096x200x128xf32, #tpu.memory_space<hbm>> -> memref<1x200x64xf32, #tpu.memory_space<hbm>>
    %dma_start3A_180 = tpu.memref_squeeze %dma_start3A_179 : memref<1x200x64xf32, #tpu.memory_space<hbm>> -> memref<200x64xf32, #tpu.memory_space<hbm>>
    %dma_start3A_181 = arith.constant 0 : i32
    %dma_start3A_182 = arith.constant 0 : i32
    %dma_start3A_183 = tpu.memref_slice %arg5[%add3A_171, %dma_start3A_181, %dma_start3A_182] : memref<4096x200x128xf32, #tpu.memory_space<hbm>> -> memref<1x200x64xf32, #tpu.memory_space<hbm>>
    %dma_start3A_184 = tpu.memref_squeeze %dma_start3A_183 : memref<1x200x64xf32, #tpu.memory_space<hbm>> -> memref<200x64xf32, #tpu.memory_space<hbm>>
    %dma_start3A_185 = arith.constant 200 : i32
    %dma_start3A_186 = arith.constant 0 : i32
    %dma_start3A_187 = tpu.memref_slice %arg8[%dma_start3A_172, %dma_start3A_185, %dma_start3A_186] : memref<2x800x64xf32, #tpu.memory_space<vmem>> -> memref<1x200x64xf32, #tpu.memory_space<vmem>>
    %dma_start3A_188 = tpu.memref_squeeze %dma_start3A_187 : memref<1x200x64xf32, #tpu.memory_space<vmem>> -> memref<200x64xf32, #tpu.memory_space<vmem>>
    tpu.enqueue_dma source(%dma_start3A_188 : memref<200x64xf32, #tpu.memory_space<vmem>>) target(%dma_start3A_184 : memref<200x64xf32, #tpu.memory_space<hbm>>) target_semaphore(%arg12 : memref<!tpu.dma_semaphore, #tpu.memory_space<semaphore_mem>>)
    %add3A_189 = arith.constant 2 : i32
    %add3A_190 = arith.addi %add3A_150, %add3A_189 : i32
    %dma_start3A_191 = arith.constant 1 : i32
    %dma_start3A_192 = arith.constant 400 : i32
    %dma_start3A_193 = arith.constant 0 : i32
    %dma_start3A_194 = tpu.memref_slice %arg8[%dma_start3A_191, %dma_start3A_192, %dma_start3A_193] : memref<2x800x64xf32, #tpu.memory_space<vmem>> -> memref<1x200x64xf32, #tpu.memory_space<vmem>>
    %dma_start3A_195 = tpu.memref_squeeze %dma_start3A_194 : memref<1x200x64xf32, #tpu.memory_space<vmem>> -> memref<200x64xf32, #tpu.memory_space<vmem>>
    %dma_start3A_196 = arith.constant 0 : i32
    %dma_start3A_197 = arith.constant 0 : i32
    %dma_start3A_198 = tpu.memref_slice %arg5[%add3A_190, %dma_start3A_196, %dma_start3A_197] : memref<4096x200x128xf32, #tpu.memory_space<hbm>> -> memref<1x200x64xf32, #tpu.memory_space<hbm>>
    %dma_start3A_199 = tpu.memref_squeeze %dma_start3A_198 : memref<1x200x64xf32, #tpu.memory_space<hbm>> -> memref<200x64xf32, #tpu.memory_space<hbm>>
    %dma_start3A_200 = arith.constant 0 : i32
    %dma_start3A_201 = arith.constant 0 : i32
    %dma_start3A_202 = tpu.memref_slice %arg5[%add3A_190, %dma_start3A_200, %dma_start3A_201] : memref<4096x200x128xf32, #tpu.memory_space<hbm>> -> memref<1x200x64xf32, #tpu.memory_space<hbm>>
    %dma_start3A_203 = tpu.memref_squeeze %dma_start3A_202 : memref<1x200x64xf32, #tpu.memory_space<hbm>> -> memref<200x64xf32, #tpu.memory_space<hbm>>
    %dma_start3A_204 = arith.constant 400 : i32
    %dma_start3A_205 = arith.constant 0 : i32
    %dma_start3A_206 = tpu.memref_slice %arg8[%dma_start3A_191, %dma_start3A_204, %dma_start3A_205] : memref<2x800x64xf32, #tpu.memory_space<vmem>> -> memref<1x200x64xf32, #tpu.memory_space<vmem>>
    %dma_start3A_207 = tpu.memref_squeeze %dma_start3A_206 : memref<1x200x64xf32, #tpu.memory_space<vmem>> -> memref<200x64xf32, #tpu.memory_space<vmem>>
    tpu.enqueue_dma source(%dma_start3A_207 : memref<200x64xf32, #tpu.memory_space<vmem>>) target(%dma_start3A_203 : memref<200x64xf32, #tpu.memory_space<hbm>>) target_semaphore(%arg12 : memref<!tpu.dma_semaphore, #tpu.memory_space<semaphore_mem>>)
    %add3A_208 = arith.constant 3 : i32
    %add3A_209 = arith.addi %add3A_150, %add3A_208 : i32
    %dma_start3A_210 = arith.constant 1 : i32
    %dma_start3A_211 = arith.constant 600 : i32
    %dma_start3A_212 = arith.constant 0 : i32
    %dma_start3A_213 = tpu.memref_slice %arg8[%dma_start3A_210, %dma_start3A_211, %dma_start3A_212] : memref<2x800x64xf32, #tpu.memory_space<vmem>> -> memref<1x200x64xf32, #tpu.memory_space<vmem>>
    %dma_start3A_214 = tpu.memref_squeeze %dma_start3A_213 : memref<1x200x64xf32, #tpu.memory_space<vmem>> -> memref<200x64xf32, #tpu.memory_space<vmem>>
    %dma_start3A_215 = arith.constant 0 : i32
    %dma_start3A_216 = arith.constant 0 : i32
    %dma_start3A_217 = tpu.memref_slice %arg5[%add3A_209, %dma_start3A_215, %dma_start3A_216] : memref<4096x200x128xf32, #tpu.memory_space<hbm>> -> memref<1x200x64xf32, #tpu.memory_space<hbm>>
    %dma_start3A_218 = tpu.memref_squeeze %dma_start3A_217 : memref<1x200x64xf32, #tpu.memory_space<hbm>> -> memref<200x64xf32, #tpu.memory_space<hbm>>
    %dma_start3A_219 = arith.constant 0 : i32
    %dma_start3A_220 = arith.constant 0 : i32
    %dma_start3A_221 = tpu.memref_slice %arg5[%add3A_209, %dma_start3A_219, %dma_start3A_220] : memref<4096x200x128xf32, #tpu.memory_space<hbm>> -> memref<1x200x64xf32, #tpu.memory_space<hbm>>
    %dma_start3A_222 = tpu.memref_squeeze %dma_start3A_221 : memref<1x200x64xf32, #tpu.memory_space<hbm>> -> memref<200x64xf32, #tpu.memory_space<hbm>>
    %dma_start3A_223 = arith.constant 600 : i32
    %dma_start3A_224 = arith.constant 0 : i32
    %dma_start3A_225 = tpu.memref_slice %arg8[%dma_start3A_210, %dma_start3A_223, %dma_start3A_224] : memref<2x800x64xf32, #tpu.memory_space<vmem>> -> memref<1x200x64xf32, #tpu.memory_space<vmem>>
    %dma_start3A_226 = tpu.memref_squeeze %dma_start3A_225 : memref<1x200x64xf32, #tpu.memory_space<vmem>> -> memref<200x64xf32, #tpu.memory_space<vmem>>
    tpu.enqueue_dma source(%dma_start3A_226 : memref<200x64xf32, #tpu.memory_space<vmem>>) target(%dma_start3A_222 : memref<200x64xf32, #tpu.memory_space<hbm>>) target_semaphore(%arg12 : memref<!tpu.dma_semaphore, #tpu.memory_space<semaphore_mem>>)
    %add3A_227 = arith.constant 120 : i32
    %add3A_228 = arith.addi %mul3A_4, %add3A_227 : i32
    %add3A_229 = arith.constant 0 : i32
    %add3A_230 = arith.addi %add3A_228, %add3A_229 : i32
    %dma_wait3A_231 = arith.constant 0 : i32
    %dma_wait3A_232 = arith.constant 0 : i32
    %dma_wait3A_233 = arith.constant 0 : i32
    %dma_wait3A_234 = tpu.memref_slice %arg8[%dma_wait3A_231, %dma_wait3A_232, %dma_wait3A_233] : memref<2x800x64xf32, #tpu.memory_space<vmem>> -> memref<1x200x64xf32, #tpu.memory_space<vmem>>
    %dma_wait3A_235 = tpu.memref_squeeze %dma_wait3A_234 : memref<1x200x64xf32, #tpu.memory_space<vmem>> -> memref<200x64xf32, #tpu.memory_space<vmem>>
    %dma_wait3A_236 = arith.constant 0 : i32
    %dma_wait3A_237 = arith.constant 0 : i32
    %dma_wait3A_238 = tpu.memref_slice %arg5[%add3A_230, %dma_wait3A_236, %dma_wait3A_237] : memref<4096x200x128xf32, #tpu.memory_space<hbm>> -> memref<1x200x64xf32, #tpu.memory_space<hbm>>
    %dma_wait3A_239 = tpu.memref_squeeze %dma_wait3A_238 : memref<1x200x64xf32, #tpu.memory_space<hbm>> -> memref<200x64xf32, #tpu.memory_space<hbm>>
    %dma_wait3A_240 = arith.constant 0 : i32
    %dma_wait3A_241 = arith.constant 0 : i32
    %dma_wait3A_242 = tpu.memref_slice %arg5[%add3A_230, %dma_wait3A_240, %dma_wait3A_241] : memref<4096x200x128xf32, #tpu.memory_space<hbm>> -> memref<1x200x64xf32, #tpu.memory_space<hbm>>
    %dma_wait3A_243 = tpu.memref_squeeze %dma_wait3A_242 : memref<1x200x64xf32, #tpu.memory_space<hbm>> -> memref<200x64xf32, #tpu.memory_space<hbm>>
    %dma_wait3A_244 = arith.constant 0 : i32
    %dma_wait3A_245 = arith.constant 0 : i32
    %dma_wait3A_246 = tpu.memref_slice %arg8[%dma_wait3A_231, %dma_wait3A_244, %dma_wait3A_245] : memref<2x800x64xf32, #tpu.memory_space<vmem>> -> memref<1x200x64xf32, #tpu.memory_space<vmem>>
    %dma_wait3A_247 = tpu.memref_squeeze %dma_wait3A_246 : memref<1x200x64xf32, #tpu.memory_space<vmem>> -> memref<200x64xf32, #tpu.memory_space<vmem>>
    tpu.wait_dma2 semaphore(%arg11 : memref<!tpu.dma_semaphore, #tpu.memory_space<semaphore_mem>>) src(%dma_wait3A_247 : memref<200x64xf32, #tpu.memory_space<vmem>>) dst(%dma_wait3A_243 : memref<200x64xf32, #tpu.memory_space<hbm>>)
    %add3A_248 = arith.constant 1 : i32
    %add3A_249 = arith.addi %add3A_228, %add3A_248 : i32
    %dma_wait3A_250 = arith.constant 0 : i32
    %dma_wait3A_251 = arith.constant 200 : i32
    %dma_wait3A_252 = arith.constant 0 : i32
    %dma_wait3A_253 = tpu.memref_slice %arg8[%dma_wait3A_250, %dma_wait3A_251, %dma_wait3A_252] : memref<2x800x64xf32, #tpu.memory_space<vmem>> -> memref<1x200x64xf32, #tpu.memory_space<vmem>>
    %dma_wait3A_254 = tpu.memref_squeeze %dma_wait3A_253 : memref<1x200x64xf32, #tpu.memory_space<vmem>> -> memref<200x64xf32, #tpu.memory_space<vmem>>
    %dma_wait3A_255 = arith.constant 0 : i32
    %dma_wait3A_256 = arith.constant 0 : i32
    %dma_wait3A_257 = tpu.memref_slice %arg5[%add3A_249, %dma_wait3A_255, %dma_wait3A_256] : memref<4096x200x128xf32, #tpu.memory_space<hbm>> -> memref<1x200x64xf32, #tpu.memory_space<hbm>>
    %dma_wait3A_258 = tpu.memref_squeeze %dma_wait3A_257 : memref<1x200x64xf32, #tpu.memory_space<hbm>> -> memref<200x64xf32, #tpu.memory_space<hbm>>
    %dma_wait3A_259 = arith.constant 0 : i32
    %dma_wait3A_260 = arith.constant 0 : i32
    %dma_wait3A_261 = tpu.memref_slice %arg5[%add3A_249, %dma_wait3A_259, %dma_wait3A_260] : memref<4096x200x128xf32, #tpu.memory_space<hbm>> -> memref<1x200x64xf32, #tpu.memory_space<hbm>>
    %dma_wait3A_262 = tpu.memref_squeeze %dma_wait3A_261 : memref<1x200x64xf32, #tpu.memory_space<hbm>> -> memref<200x64xf32, #tpu.memory_space<hbm>>
    %dma_wait3A_263 = arith.constant 200 : i32
    %dma_wait3A_264 = arith.constant 0 : i32
    %dma_wait3A_265 = tpu.memref_slice %arg8[%dma_wait3A_250, %dma_wait3A_263, %dma_wait3A_264] : memref<2x800x64xf32, #tpu.memory_space<vmem>> -> memref<1x200x64xf32, #tpu.memory_space<vmem>>
    %dma_wait3A_266 = tpu.memref_squeeze %dma_wait3A_265 : memref<1x200x64xf32, #tpu.memory_space<vmem>> -> memref<200x64xf32, #tpu.memory_space<vmem>>
    tpu.wait_dma2 semaphore(%arg11 : memref<!tpu.dma_semaphore, #tpu.memory_space<semaphore_mem>>) src(%dma_wait3A_266 : memref<200x64xf32, #tpu.memory_space<vmem>>) dst(%dma_wait3A_262 : memref<200x64xf32, #tpu.memory_space<hbm>>)
    %add3A_267 = arith.constant 2 : i32
    %add3A_268 = arith.addi %add3A_228, %add3A_267 : i32
    %dma_wait3A_269 = arith.constant 0 : i32
    %dma_wait3A_270 = arith.constant 400 : i32
    %dma_wait3A_271 = arith.constant 0 : i32
    %dma_wait3A_272 = tpu.memref_slice %arg8[%dma_wait3A_269, %dma_wait3A_270, %dma_wait3A_271] : memref<2x800x64xf32, #tpu.memory_space<vmem>> -> memref<1x200x64xf32, #tpu.memory_space<vmem>>
    %dma_wait3A_273 = tpu.memref_squeeze %dma_wait3A_272 : memref<1x200x64xf32, #tpu.memory_space<vmem>> -> memref<200x64xf32, #tpu.memory_space<vmem>>
    %dma_wait3A_274 = arith.constant 0 : i32
    %dma_wait3A_275 = arith.constant 0 : i32
    %dma_wait3A_276 = tpu.memref_slice %arg5[%add3A_268, %dma_wait3A_274, %dma_wait3A_275] : memref<4096x200x128xf32, #tpu.memory_space<hbm>> -> memref<1x200x64xf32, #tpu.memory_space<hbm>>
    %dma_wait3A_277 = tpu.memref_squeeze %dma_wait3A_276 : memref<1x200x64xf32, #tpu.memory_space<hbm>> -> memref<200x64xf32, #tpu.memory_space<hbm>>
    %dma_wait3A_278 = arith.constant 0 : i32
    %dma_wait3A_279 = arith.constant 0 : i32
    %dma_wait3A_280 = tpu.memref_slice %arg5[%add3A_268, %dma_wait3A_278, %dma_wait3A_279] : memref<4096x200x128xf32, #tpu.memory_space<hbm>> -> memref<1x200x64xf32, #tpu.memory_space<hbm>>
    %dma_wait3A_281 = tpu.memref_squeeze %dma_wait3A_280 : memref<1x200x64xf32, #tpu.memory_space<hbm>> -> memref<200x64xf32, #tpu.memory_space<hbm>>
    %dma_wait3A_282 = arith.constant 400 : i32
    %dma_wait3A_283 = arith.constant 0 : i32
    %dma_wait3A_284 = tpu.memref_slice %arg8[%dma_wait3A_269, %dma_wait3A_282, %dma_wait3A_283] : memref<2x800x64xf32, #tpu.memory_space<vmem>> -> memref<1x200x64xf32, #tpu.memory_space<vmem>>
    %dma_wait3A_285 = tpu.memref_squeeze %dma_wait3A_284 : memref<1x200x64xf32, #tpu.memory_space<vmem>> -> memref<200x64xf32, #tpu.memory_space<vmem>>
    tpu.wait_dma2 semaphore(%arg11 : memref<!tpu.dma_semaphore, #tpu.memory_space<semaphore_mem>>) src(%dma_wait3A_285 : memref<200x64xf32, #tpu.memory_space<vmem>>) dst(%dma_wait3A_281 : memref<200x64xf32, #tpu.memory_space<hbm>>)
    %add3A_286 = arith.constant 3 : i32
    %add3A_287 = arith.addi %add3A_228, %add3A_286 : i32
    %dma_wait3A_288 = arith.constant 0 : i32
    %dma_wait3A_289 = arith.constant 600 : i32
    %dma_wait3A_290 = arith.constant 0 : i32
    %dma_wait3A_291 = tpu.memref_slice %arg8[%dma_wait3A_288, %dma_wait3A_289, %dma_wait3A_290] : memref<2x800x64xf32, #tpu.memory_space<vmem>> -> memref<1x200x64xf32, #tpu.memory_space<vmem>>
    %dma_wait3A_292 = tpu.memref_squeeze %dma_wait3A_291 : memref<1x200x64xf32, #tpu.memory_space<vmem>> -> memref<200x64xf32, #tpu.memory_space<vmem>>
    %dma_wait3A_293 = arith.constant 0 : i32
    %dma_wait3A_294 = arith.constant 0 : i32
    %dma_wait3A_295 = tpu.memref_slice %arg5[%add3A_287, %dma_wait3A_293, %dma_wait3A_294] : memref<4096x200x128xf32, #tpu.memory_space<hbm>> -> memref<1x200x64xf32, #tpu.memory_space<hbm>>
    %dma_wait3A_296 = tpu.memref_squeeze %dma_wait3A_295 : memref<1x200x64xf32, #tpu.memory_space<hbm>> -> memref<200x64xf32, #tpu.memory_space<hbm>>
    %dma_wait3A_297 = arith.constant 0 : i32
    %dma_wait3A_298 = arith.constant 0 : i32
    %dma_wait3A_299 = tpu.memref_slice %arg5[%add3A_287, %dma_wait3A_297, %dma_wait3A_298] : memref<4096x200x128xf32, #tpu.memory_space<hbm>> -> memref<1x200x64xf32, #tpu.memory_space<hbm>>
    %dma_wait3A_300 = tpu.memref_squeeze %dma_wait3A_299 : memref<1x200x64xf32, #tpu.memory_space<hbm>> -> memref<200x64xf32, #tpu.memory_space<hbm>>
    %dma_wait3A_301 = arith.constant 600 : i32
    %dma_wait3A_302 = arith.constant 0 : i32
    %dma_wait3A_303 = tpu.memref_slice %arg8[%dma_wait3A_288, %dma_wait3A_301, %dma_wait3A_302] : memref<2x800x64xf32, #tpu.memory_space<vmem>> -> memref<1x200x64xf32, #tpu.memory_space<vmem>>
    %dma_wait3A_304 = tpu.memref_squeeze %dma_wait3A_303 : memref<1x200x64xf32, #tpu.memory_space<vmem>> -> memref<200x64xf32, #tpu.memory_space<vmem>>
    tpu.wait_dma2 semaphore(%arg11 : memref<!tpu.dma_semaphore, #tpu.memory_space<semaphore_mem>>) src(%dma_wait3A_304 : memref<200x64xf32, #tpu.memory_space<vmem>>) dst(%dma_wait3A_300 : memref<200x64xf32, #tpu.memory_space<hbm>>)
    %add3A_305 = arith.constant 124 : i32
    %add3A_306 = arith.addi %mul3A_4, %add3A_305 : i32
    %add3A_307 = arith.constant 0 : i32
    %add3A_308 = arith.addi %add3A_306, %add3A_307 : i32
    %dma_wait3A_309 = arith.constant 1 : i32
    %dma_wait3A_310 = arith.constant 0 : i32
    %dma_wait3A_311 = arith.constant 0 : i32
    %dma_wait3A_312 = tpu.memref_slice %arg8[%dma_wait3A_309, %dma_wait3A_310, %dma_wait3A_311] : memref<2x800x64xf32, #tpu.memory_space<vmem>> -> memref<1x200x64xf32, #tpu.memory_space<vmem>>
    %dma_wait3A_313 = tpu.memref_squeeze %dma_wait3A_312 : memref<1x200x64xf32, #tpu.memory_space<vmem>> -> memref<200x64xf32, #tpu.memory_space<vmem>>
    %dma_wait3A_314 = arith.constant 0 : i32
    %dma_wait3A_315 = arith.constant 0 : i32
    %dma_wait3A_316 = tpu.memref_slice %arg5[%add3A_308, %dma_wait3A_314, %dma_wait3A_315] : memref<4096x200x128xf32, #tpu.memory_space<hbm>> -> memref<1x200x64xf32, #tpu.memory_space<hbm>>
    %dma_wait3A_317 = tpu.memref_squeeze %dma_wait3A_316 : memref<1x200x64xf32, #tpu.memory_space<hbm>> -> memref<200x64xf32, #tpu.memory_space<hbm>>
    %dma_wait3A_318 = arith.constant 0 : i32
    %dma_wait3A_319 = arith.constant 0 : i32
    %dma_wait3A_320 = tpu.memref_slice %arg5[%add3A_308, %dma_wait3A_318, %dma_wait3A_319] : memref<4096x200x128xf32, #tpu.memory_space<hbm>> -> memref<1x200x64xf32, #tpu.memory_space<hbm>>
    %dma_wait3A_321 = tpu.memref_squeeze %dma_wait3A_320 : memref<1x200x64xf32, #tpu.memory_space<hbm>> -> memref<200x64xf32, #tpu.memory_space<hbm>>
    %dma_wait3A_322 = arith.constant 0 : i32
    %dma_wait3A_323 = arith.constant 0 : i32
    %dma_wait3A_324 = tpu.memref_slice %arg8[%dma_wait3A_309, %dma_wait3A_322, %dma_wait3A_323] : memref<2x800x64xf32, #tpu.memory_space<vmem>> -> memref<1x200x64xf32, #tpu.memory_space<vmem>>
    %dma_wait3A_325 = tpu.memref_squeeze %dma_wait3A_324 : memref<1x200x64xf32, #tpu.memory_space<vmem>> -> memref<200x64xf32, #tpu.memory_space<vmem>>
    tpu.wait_dma2 semaphore(%arg12 : memref<!tpu.dma_semaphore, #tpu.memory_space<semaphore_mem>>) src(%dma_wait3A_325 : memref<200x64xf32, #tpu.memory_space<vmem>>) dst(%dma_wait3A_321 : memref<200x64xf32, #tpu.memory_space<hbm>>)
    %add3A_326 = arith.constant 1 : i32
    %add3A_327 = arith.addi %add3A_306, %add3A_326 : i32
    %dma_wait3A_328 = arith.constant 1 : i32
    %dma_wait3A_329 = arith.constant 200 : i32
    %dma_wait3A_330 = arith.constant 0 : i32
    %dma_wait3A_331 = tpu.memref_slice %arg8[%dma_wait3A_328, %dma_wait3A_329, %dma_wait3A_330] : memref<2x800x64xf32, #tpu.memory_space<vmem>> -> memref<1x200x64xf32, #tpu.memory_space<vmem>>
    %dma_wait3A_332 = tpu.memref_squeeze %dma_wait3A_331 : memref<1x200x64xf32, #tpu.memory_space<vmem>> -> memref<200x64xf32, #tpu.memory_space<vmem>>
    %dma_wait3A_333 = arith.constant 0 : i32
    %dma_wait3A_334 = arith.constant 0 : i32
    %dma_wait3A_335 = tpu.memref_slice %arg5[%add3A_327, %dma_wait3A_333, %dma_wait3A_334] : memref<4096x200x128xf32, #tpu.memory_space<hbm>> -> memref<1x200x64xf32, #tpu.memory_space<hbm>>
    %dma_wait3A_336 = tpu.memref_squeeze %dma_wait3A_335 : memref<1x200x64xf32, #tpu.memory_space<hbm>> -> memref<200x64xf32, #tpu.memory_space<hbm>>
    %dma_wait3A_337 = arith.constant 0 : i32
    %dma_wait3A_338 = arith.constant 0 : i32
    %dma_wait3A_339 = tpu.memref_slice %arg5[%add3A_327, %dma_wait3A_337, %dma_wait3A_338] : memref<4096x200x128xf32, #tpu.memory_space<hbm>> -> memref<1x200x64xf32, #tpu.memory_space<hbm>>
    %dma_wait3A_340 = tpu.memref_squeeze %dma_wait3A_339 : memref<1x200x64xf32, #tpu.memory_space<hbm>> -> memref<200x64xf32, #tpu.memory_space<hbm>>
    %dma_wait3A_341 = arith.constant 200 : i32
    %dma_wait3A_342 = arith.constant 0 : i32
    %dma_wait3A_343 = tpu.memref_slice %arg8[%dma_wait3A_328, %dma_wait3A_341, %dma_wait3A_342] : memref<2x800x64xf32, #tpu.memory_space<vmem>> -> memref<1x200x64xf32, #tpu.memory_space<vmem>>
    %dma_wait3A_344 = tpu.memref_squeeze %dma_wait3A_343 : memref<1x200x64xf32, #tpu.memory_space<vmem>> -> memref<200x64xf32, #tpu.memory_space<vmem>>
    tpu.wait_dma2 semaphore(%arg12 : memref<!tpu.dma_semaphore, #tpu.memory_space<semaphore_mem>>) src(%dma_wait3A_344 : memref<200x64xf32, #tpu.memory_space<vmem>>) dst(%dma_wait3A_340 : memref<200x64xf32, #tpu.memory_space<hbm>>)
    %add3A_345 = arith.constant 2 : i32
    %add3A_346 = arith.addi %add3A_306, %add3A_345 : i32
    %dma_wait3A_347 = arith.constant 1 : i32
    %dma_wait3A_348 = arith.constant 400 : i32
    %dma_wait3A_349 = arith.constant 0 : i32
    %dma_wait3A_350 = tpu.memref_slice %arg8[%dma_wait3A_347, %dma_wait3A_348, %dma_wait3A_349] : memref<2x800x64xf32, #tpu.memory_space<vmem>> -> memref<1x200x64xf32, #tpu.memory_space<vmem>>
    %dma_wait3A_351 = tpu.memref_squeeze %dma_wait3A_350 : memref<1x200x64xf32, #tpu.memory_space<vmem>> -> memref<200x64xf32, #tpu.memory_space<vmem>>
    %dma_wait3A_352 = arith.constant 0 : i32
    %dma_wait3A_353 = arith.constant 0 : i32
    %dma_wait3A_354 = tpu.memref_slice %arg5[%add3A_346, %dma_wait3A_352, %dma_wait3A_353] : memref<4096x200x128xf32, #tpu.memory_space<hbm>> -> memref<1x200x64xf32, #tpu.memory_space<hbm>>
    %dma_wait3A_355 = tpu.memref_squeeze %dma_wait3A_354 : memref<1x200x64xf32, #tpu.memory_space<hbm>> -> memref<200x64xf32, #tpu.memory_space<hbm>>
    %dma_wait3A_356 = arith.constant 0 : i32
    %dma_wait3A_357 = arith.constant 0 : i32
    %dma_wait3A_358 = tpu.memref_slice %arg5[%add3A_346, %dma_wait3A_356, %dma_wait3A_357] : memref<4096x200x128xf32, #tpu.memory_space<hbm>> -> memref<1x200x64xf32, #tpu.memory_space<hbm>>
    %dma_wait3A_359 = tpu.memref_squeeze %dma_wait3A_358 : memref<1x200x64xf32, #tpu.memory_space<hbm>> -> memref<200x64xf32, #tpu.memory_space<hbm>>
    %dma_wait3A_360 = arith.constant 400 : i32
    %dma_wait3A_361 = arith.constant 0 : i32
    %dma_wait3A_362 = tpu.memref_slice %arg8[%dma_wait3A_347, %dma_wait3A_360, %dma_wait3A_361] : memref<2x800x64xf32, #tpu.memory_space<vmem>> -> memref<1x200x64xf32, #tpu.memory_space<vmem>>
    %dma_wait3A_363 = tpu.memref_squeeze %dma_wait3A_362 : memref<1x200x64xf32, #tpu.memory_space<vmem>> -> memref<200x64xf32, #tpu.memory_space<vmem>>
    tpu.wait_dma2 semaphore(%arg12 : memref<!tpu.dma_semaphore, #tpu.memory_space<semaphore_mem>>) src(%dma_wait3A_363 : memref<200x64xf32, #tpu.memory_space<vmem>>) dst(%dma_wait3A_359 : memref<200x64xf32, #tpu.memory_space<hbm>>)
    %add3A_364 = arith.constant 3 : i32
    %add3A_365 = arith.addi %add3A_306, %add3A_364 : i32
    %dma_wait3A_366 = arith.constant 1 : i32
    %dma_wait3A_367 = arith.constant 600 : i32
    %dma_wait3A_368 = arith.constant 0 : i32
    %dma_wait3A_369 = tpu.memref_slice %arg8[%dma_wait3A_366, %dma_wait3A_367, %dma_wait3A_368] : memref<2x800x64xf32, #tpu.memory_space<vmem>> -> memref<1x200x64xf32, #tpu.memory_space<vmem>>
    %dma_wait3A_370 = tpu.memref_squeeze %dma_wait3A_369 : memref<1x200x64xf32, #tpu.memory_space<vmem>> -> memref<200x64xf32, #tpu.memory_space<vmem>>
    %dma_wait3A_371 = arith.constant 0 : i32
    %dma_wait3A_372 = arith.constant 0 : i32
    %dma_wait3A_373 = tpu.memref_slice %arg5[%add3A_365, %dma_wait3A_371, %dma_wait3A_372] : memref<4096x200x128xf32, #tpu.memory_space<hbm>> -> memref<1x200x64xf32, #tpu.memory_space<hbm>>
    %dma_wait3A_374 = tpu.memref_squeeze %dma_wait3A_373 : memref<1x200x64xf32, #tpu.memory_space<hbm>> -> memref<200x64xf32, #tpu.memory_space<hbm>>
    %dma_wait3A_375 = arith.constant 0 : i32
    %dma_wait3A_376 = arith.constant 0 : i32
    %dma_wait3A_377 = tpu.memref_slice %arg5[%add3A_365, %dma_wait3A_375, %dma_wait3A_376] : memref<4096x200x128xf32, #tpu.memory_space<hbm>> -> memref<1x200x64xf32, #tpu.memory_space<hbm>>
    %dma_wait3A_378 = tpu.memref_squeeze %dma_wait3A_377 : memref<1x200x64xf32, #tpu.memory_space<hbm>> -> memref<200x64xf32, #tpu.memory_space<hbm>>
    %dma_wait3A_379 = arith.constant 600 : i32
    %dma_wait3A_380 = arith.constant 0 : i32
    %dma_wait3A_381 = tpu.memref_slice %arg8[%dma_wait3A_366, %dma_wait3A_379, %dma_wait3A_380] : memref<2x800x64xf32, #tpu.memory_space<vmem>> -> memref<1x200x64xf32, #tpu.memory_space<vmem>>
    %dma_wait3A_382 = tpu.memref_squeeze %dma_wait3A_381 : memref<1x200x64xf32, #tpu.memory_space<vmem>> -> memref<200x64xf32, #tpu.memory_space<vmem>>
    tpu.wait_dma2 semaphore(%arg12 : memref<!tpu.dma_semaphore, #tpu.memory_space<semaphore_mem>>) src(%dma_wait3A_382 : memref<200x64xf32, #tpu.memory_space<vmem>>) dst(%dma_wait3A_378 : memref<200x64xf32, #tpu.memory_space<hbm>>)
    return
  }
}

</mosaic_0001>

<sc_bundles>
// kernel: _run.3.cloned.1.call-start
scs
__scs_entry_jumppad:
0x0: {  	(pc) =	sbr.rel $0x88, $3  }
0x1: {  	(tag) =	ssettag $0x0;
	lr =	simm.s32 $0x1  }
0x2: {  	[smem:$0x3F9E] =	sst lr;
	_ =	strace $0xD0000000  }
0x3: {  	_ = 	snop  }
0x4: {  	_ = 	snop  }
0x5: {  	_ = 	snop  }
0x6: {  	_ = 	snop  }
0x7: {  	_ = 	snop  }
__scs_overlays_trampoline_lowered:
0x8: {  	[smem:$0x3FAD] =	sst s0  }
0x9: {  	[smem:$0x3FAE] =	sst s1  }
0xa: {  	[smem:$0x3FAF] =	sst s2  }
0xb: {  	[smem:$0x3FB0] =	sst s3  }
0xc: {  	[smem:$0x3FB1] =	sst s4  }
0xd: {  	[smem:$0x3FB2] =	sst s5  }
0xe: {  	[smem:$0x3FB3] =	sst s6  }
0xf: {  	[smem:$0x3FB4] =	sst s7  }
0x10: {  	[smem:$0x3FB5] =	sst s8  }
0x11: {  	[smem:$0x3FB6] =	sst s9;
	s0 =	simm.s32 @!p0 $0x0  }
0x12: {  	s1 =	sld [smem:$0x3F9C];
	s0 =	simm.s32 @p0 $0x1  }
0x13: {  	[smem:$0x3FB7] =	sst s0;
	s0 =	simm.s32 @!p1 $0x0  }
0x14: {  	s2 =	sld [smem:$0x3F9B];
	s0 =	simm.s32 @p1 $0x1  }
0x15: {  	[smem:$0x3FB8] =	sst s0;
	s0 =	simm.s32 @!p2 $0x0  }
0x16: {  	s3 =	sld [smem:$0x3FDB];
	s0 =	simm.s32 @p2 $0x1  }
0x17: {  	s4 =	simm.s32 $0x1BF5;
	[smem:$0x3FBA] =	sst s0  }
0x18: {  	s0 =	sld [smem:$0x3F9D];
	_ =	swait.ge [sflag:s4], $0x0  }
0x19: {  	s7 =	sld [smem:$0x3F9E]  }
0x1a: {  	s8 =	sadd.s32 $0xFFFFE003, lr  }
0x1b: {  	s9 =	sadd.s32 $0xFFFFFEF7, lr;
	s5 =	simm.s32 $0xFFFFFFFF;
	p2 =	slt.u32 s8, $0xFFFFF086  }
0x1c: {  	p1 =	slt.u32 s9, $0xF7A;
	s5 =	simm.s32 @!p2 $0x0  }
0x1d: {  	s5 =	simm.s32 @p1 $0x1;
	p0 =	seq.s32 s7, s2  }
0x1e: {  	s7 =	smul.u32 @!p0 $0xF7A, s2;
	p2 =	seq.s32 @!p0 s5, $0x0  }
0x1f: {  	s9 =	smul.u32 $0xF7A, s1;
	s8 =	simm.s32 @!p0 $0x1BF5;
	p2 =	por !p2, p0  }
0x20: {  	[sflag:s8] =	ssyncset.s32 @!p0 $0xFFFFF086;
	s6 =	sadd.s32 @!p0 s3, s7;
	s7 =	simm.s32 @!p0 $0x108  }
0x21: {  	s3 =	sadd.s32 s3, s9;
	s6 =	sadd.s32 @!p0 $0x88, s6;
	s7 =	simm.s32 @p2 $0x1082  }
0x22: {  	[simem:s7], [sflag:s8] =	dma.local @!p0 [hbm:s6], $0xF7A  }
0x23: {  	s9 =	sor.u32 $0xD0000000, s2;
	s6 =	simm.s32 $0x108;
	_ =	swait.ge @!p0 [sflag:s8], $0x0  }
0x24: {  	s3 =	sadd.s32 $0x88, s3;
	s6 =	simm.s32 @!p1 $0x1082;
	[sflag:s4] =	ssyncset.s32 $0xFFFFF086  }
0x25: {  	[simem:s6], [sflag:s4] =	dma.local [hbm:s3], $0xF7A  }
0x26: {  	[smem:$0x3F9E] =	sst s1;
	(tag) =	ssettag s2;
	_ =	strace s9  }
0x27: {  	s1 =	sld [smem:$0x3FAE]  }
0x28: {  	s2 =	sld [smem:$0x3FAF]  }
0x29: {  	s4 =	sld [smem:$0x3FB1]  }
0x2a: {  	p0 =	seq.s32 s5, $0x0;
	s5 =	sld [smem:$0x3FB2]  }
0x2b: {  	s6 =	sld [smem:$0x3FB3]  }
0x2c: {  	s7 =	sld [smem:$0x3FB4]  }
0x2d: {  	s3 =	simm.s32 $0x108;
	s8 =	sld [smem:$0x3FB5]  }
0x2e: {  	s3 =	simm.s32 @!p0 $0x1082;
	s9 =	sld [smem:$0x3FB6]  }
0x2f: {  	lr =	sadd.s32 s0, s3;
	s0 =	sld [smem:$0x3FAD]  }
0x30: {  	s3 =	sld [smem:$0x3FB0]  }
0x31: {  	[smem:$0x3FB9] =	sst s10  }
0x32: {  	s10 =	sld [smem:$0x3FB7];
	_ =	sdelay $0x3  }
0x33: {  	p0 =	seq.s32 s10, $0x1;
	s10 =	sld [smem:$0x3FB9];
	_ =	sdelay $0x3  }
0x34: {  	[smem:$0x3FB9] =	sst s10  }
0x35: {  	s10 =	sld [smem:$0x3FB8];
	_ =	sdelay $0x3  }
0x36: {  	p1 =	seq.s32 s10, $0x1;
	s10 =	sld [smem:$0x3FB9];
	_ =	sdelay $0x3  }
0x37: {  	[smem:$0x3FB9] =	sst s10  }
0x38: {  	s10 =	sld [smem:$0x3FBA]  }
0x39: {  	_ = 	snop;
	(pc) =	sbr.ind lr, $3  }
0x3a: {  	_ = 	snop  }
0x3b: {  	_ = 	snop  }
0x3c: {  	p2 =	seq.s32 s10, $0x1;
	s10 =	sld [smem:$0x3FB9]  }
0x3d: {  	_ =	shalt  }
0x3e: {  	_ =	shalt  }
0x3f: {  	_ =	shalt  }
0x40: {  	_ =	shalt  }
0x41: {  	_ =	shalt  }
0x42: {  	_ =	shalt  }
0x43: {  	_ =	shalt  }
0x44: {  	_ =	shalt  }
0x45: {  	_ =	shalt  }
0x46: {  	_ =	shalt  }
0x47: {  	_ =	shalt  }
0x48: {  	_ =	shalt  }
0x49: {  	_ =	shalt  }
0x4a: {  	_ =	shalt  }
0x4b: {  	_ =	shalt  }
0x4c: {  	_ =	shalt  }
0x4d: {  	_ =	shalt  }
0x4e: {  	_ =	shalt  }
0x4f: {  	_ =	shalt  }
0x50: {  	_ =	shalt  }
0x51: {  	_ =	shalt  }
0x52: {  	_ =	shalt  }
0x53: {  	_ =	shalt  }
0x54: {  	_ =	shalt  }
0x55: {  	_ =	shalt  }
0x56: {  	_ =	shalt  }
0x57: {  	_ =	shalt  }
0x58: {  	_ =	shalt  }
0x59: {  	_ =	shalt  }
0x5a: {  	_ =	shalt  }
0x5b: {  	_ =	shalt  }
0x5c: {  	_ =	shalt  }
0x5d: {  	_ =	shalt  }
0x5e: {  	_ =	shalt  }
0x5f: {  	_ =	shalt  }
0x60: {  	_ =	shalt  }
0x61: {  	_ =	shalt  }
0x62: {  	_ =	shalt  }
0x63: {  	_ =	shalt  }
0x64: {  	_ =	shalt  }
0x65: {  	_ =	shalt  }
0x66: {  	_ =	shalt  }
0x67: {  	_ =	shalt  }
0x68: {  	_ =	shalt  }
0x69: {  	_ =	shalt  }
0x6a: {  	_ =	shalt  }
0x6b: {  	_ =	shalt  }
0x6c: {  	_ =	shalt  }
0x6d: {  	_ =	shalt  }
0x6e: {  	_ =	shalt  }
0x6f: {  	_ =	shalt  }
0x70: {  	_ =	shalt  }
0x71: {  	_ =	shalt  }
0x72: {  	_ =	shalt  }
0x73: {  	_ =	shalt  }
0x74: {  	_ =	shalt  }
0x75: {  	_ =	shalt  }
0x76: {  	_ =	shalt  }
0x77: {  	_ =	shalt  }
0x78: {  	_ =	shalt  }
0x79: {  	_ =	shalt  }
0x7a: {  	_ =	shalt  }
0x7b: {  	_ =	shalt  }
0x7c: {  	_ =	shalt  }
0x7d: {  	_ =	shalt  }
0x7e: {  	_ =	shalt  }
0x7f: {  	_ =	shalt  }
0x80: {  	_ =	shalt  }
0x81: {  	_ =	shalt  }
0x82: {  	_ =	shalt  }
0x83: {  	_ =	shalt  }
0x84: {  	_ =	shalt  }
0x85: {  	_ =	shalt  }
0x86: {  	_ =	shalt  }
0x87: {  	_ =	shalt  }
.Lfunc_end0:
.L_simem_size_0:
called_computation.1_lowered:
.L_overlay_start_0:
0x88: {  	s2 =	sld [smem:$0x3FD9]  }
0x89: {  	s3 =	sld [smem:$0x3FFE];
	_ =	sdelay $0x1  }
0x8a: {  	s1 =	srdreg.scid  }
0x8b: {  	s0 =	sand.u32 $0x1, s1  }
0x8c: {  	s17 =	sshll.u32 s0, $0xA;
	s2 =	sadd.s32 s3, s2  }
0x8d: {  	s2 =	sadd.s32 s2, s17  }
0x8e: {  	[smem:$0x3FC5] =	sst s2  }
0x8f: {  	_ = 	snop  }
0x90: {  	s2 =	sld [smem:$0x3FC9]  }
0x91: {  	s18 =	sld [smem:$0x3FD0];
	(tm) =	ssettm $0x1  }
0x92: {  	s4 =	sld [smem:$0x3FFB];
	_ =	sdelay $0x3  }
0x93: {  	_ =	strace s4  }
0x94: {  	s4 =	sld [smem:$0x3FFC];
	_ =	sdelay $0x3  }
0x95: {  	_ =	strace s4  }
0x96: {  	s4 =	sld [smem:$0x3FFD];
	_ =	sdelay $0x3  }
0x97: {  	_ =	strace s4  }
0x98: {  	_ =	strace $0x8FFFFFFF  }
0x99: {  	s19 =	sld [smem:$0x3FDB];
	_ =	sdelay $0x1  }
0x9a: {  	s5 =	simm.s32 $_scs_section_size  }
0x9b: {  	s6 =	simm.s32 $_size__tile_overlayer_lowered;
	s7 =	simm.s32 $_tile_overlayer_lowered  }
0x9c: {  	s22 =	simm.s32 $0x1BFF;
	s21 =	sshll.u32 s7, $0x1;
	s4 =	sadd.s32 s5, s19  }
0x9d: {  	s8 =	simm.s32 $0x0;
	s20 =	sshll.u32 s6, $0x1;
	s6 =	sadd.s32 s21, s4  }
0x9e: {  	[timem:s8], [sflag:s22] =	dma.local [hbm:s6], s20  }
0x9f: {  	_ =	swait.ge [sflag:s22], s20  }
0xa0: {  	s5 =	ssub.s32 $0x0, s20;
	[sflag:s22] =	ssyncset.done $0x0  }
0xa1: {  	[sflag:s22] =	ssyncadd.s32 s5;
	_ =	sdelay $0x1  }
0xa2: {  	s23 =	simm.s32 $0x1B8B  }
0xa3: {  	_ =	swait.ge [sflag:s23], $0x1  }
0xa4: {  	[sflag:s23] =	ssyncset.done $0x0  }
0xa5: {  	s25 =	simm.s32 $0x1B8E;
	s24 =	sld [smem:$0x3FFE];
	[sflag:s23] =	ssyncadd.s32 $0xFFFFFFFF  }
0xa6: {  	s26 =	simm.s32 $execute0_lowered;
	[smem:$0x3FD2] =	sst s25  }
0xa7: {  	s6 =	sshll.u32 s26, $0x1;
	_ =	strace $0x80000046;
	[dreg:$0x1] =	wrdreg $0xFFFFFFFF  }
0xa8: {  	s28 =	simm.s32 $_size_execute0_lowered;
	s4 =	sadd.s32 s4, s6;
	[dreg:$0x0] =	wrdreg $0x0  }
0xa9: {  	s6 =	sshll.u32 s28, $0x1;
	[dreg:$0x2] =	wrdreg s4  }
0xaa: {  	[dreg:$0x3] =	wrdreg s6  }
0xab: {  	[dreg:$0x4] =	wrdreg $0xC0  }
0xac: {  	_ =	task [dreg:s8], $0x5FFFF  }
0xad: {  	[dreg:$0x1] =	wrdreg $0xFFFFFFFF  }
0xae: {  	[dreg:$0x0] =	wrdreg $0x60  }
0xaf: {  	[dreg:$0x2] =	wrdreg s2  }
0xb0: {  	[dreg:$0x3] =	wrdreg s24  }
0xb1: {  	[dreg:$0x4] =	wrdreg s18  }
0xb2: {  	[dreg:$0x5] =	wrdreg $0x0  }
0xb3: {  	[dreg:$0x6] =	wrdreg $0x9  }
0xb4: {  	_ =	task.clear_ibuf [dreg:s8], $0x7FFFF;
	_ =	strace $0x90000046  }
0xb5: {  	s29 =	simm.s32 $0x9;
	_ =	strace $0x80000048  }
0xb6: {  	_ =	swait.ge [sflag:s29], $0x1  }
0xb7: {  	[sflag:s29] =	ssyncadd.s32 $0xFFFFFFFF  }
0xb8: {  	_ =	strace $0x90000048  }
0xb9: {  	_ =	sfence  }
0xba: {  	s30 =	sld [smem:$0x0];
	_ =	sdelay $0x2  }
0xbb: {  	s31 =	sshll.u32 s1, $0xD;
	s1 =	sshrl.u32 s1, $0x2  }
0xbc: {  	s3 =	sand.u32 $0x4000, s31;
	s1 =	sadd.s32 s1, s30  }
0xbd: {  	s0 =	sor.u32 s3, s0;
	s1 =	sshll.u32 s1, $0x11  }
0xbe: {  	s0 =	sor.u32 s1, s0  }
0xbf: {  	s0 =	sadd.s32 $0x8F2B, s0  }
0xc0: {  	[sflag:s0] =	ssyncadd.remote.s32 $0x1  }
0xc1: {  	_ =	sfence.sel $0xFFFF  }
0xc2: {  	[dreg:$0x0] =	wrdreg $0xFFFFFFFF;
	(pc) =	sbr.abs _section_cstart, $3  }
0xc3: {  	[dreg:$0x1] =	wrdreg $0xFFFFFFFF  }
0xc4: {  	_ =	task.clear_ibuf [dreg:s8], $0x2FFFF;
	_ =	strace $0x9FFFFFFF  }
0xc5: {  	(tm) =	ssettm $0x7FFFFFFF  }
tec
execute0_lowered:
.L_overlay_start_1:
0x0: {  	(tag) =	ssettag $0x1  }
0x1: {  	s0 =	rddreg [dreg:$0x0]  }
0x2: {  	s1 =	rddreg [dreg:$0x1]  }
0x3: {  	s3 =	srdreg.scid;
	s5 =	stileid.u32  }
0x4: {  	s2 =	rddreg [dreg:$0x3];
	s18 =	smul.u32 $0x640000, s5  }
0x5: {  	s16 =	simm.s32 $0x960;
	s15 =	simm.s32 $0x16760;
	s25 =	smul.u32 $0xC800, s5  }
0x6: {  	s31 =	simm.s32 $0x940;
	s6 =	sand.u32 $0x1, s3;
	s26 =	smul.u32 $0xC8000, s5  }
0x7: {  	s28 =	simm.s32 $0x19160;
	s4 =	sshll.u32 s5, $0x1;
	s20 =	smul.u32 $0x320000, s6  }
0x8: {  	s3 =	simm.s32 $0x0;
	p0 =	sne.s32 s5, $0x0;
	s13 =	smul.u32 $0x6400, s6  }
0x9: {  	s4 =	sor.u32 s6, s4;
	s7 =	ssub.s32 $0x2, s6;
	s6 =	smul.u32 $0x64000, s6  }
0xa: {  	s5 =	simm.s32 $0x20;
	[smem:$0x7FF] =	sst s3;
	s8 =	smul.u32 $0x6400, s4  }
0xb: {  	_ =	strace $0x80000047;
	s9 =	sshrl.u32 s7, $0x1;
	s10 =	smul.u32 $0x320000, s4  }
0xc: {  	s4 =	sadd.s32 $0x1E85200, s1;
	s1 =	sadd.s32 $0xA00, s1;
	s7 =	ssub.s32 s7, s9  }
0xd: {  	s23 =	sadd.s32 s20, s18;
	s29 =	sadd.s32 s13, s25;
	s18 =	simm.s32 $0x3B60  }
0xe: {  	s20 =	simm.s32 $0x9F60;
	s25 =	simm.s32 $0x40;
	s8 =	sshrl.u32 s8, $0x3  }
0xf: {  	s17 =	sshrl.u32 s10, $0x3;
	s7 =	smax.u32 s7, $0x1;
	s24 =	sor.u32 $0x12C00, s23  }
0x10: {  	s9 =	sor.u32 $0xC800, s23;
	s10 =	simm.s32 $0x13560;
	s8 =	sadd.s32 s0, s8  }
0x11: {  	s19 =	sadd.s32 s1, s17;
	[dreg:$0xa] =	wrdreg s7;
	s9 =	sshrl.u32 s9, $0x3  }
0x12: {  	s7 =	sor.u32 $0x6400, s23;
	s17 =	simm.s32 $0x5;
	s23 =	simm.s32 $0x640  }
0x13: {  	[dreg:$0x5] =	wrdreg s8;
	s11 =	sadd.s32 $0x60E00, s19;
	s21 =	sadd.s32 $0x61A80, s19  }
0x14: {  	s22 =	sadd.s32 $0x62700, s19;
	s8 =	sadd.s32 $0x63380, s19;
	[dreg:$0x6] =	wrdreg s11  }
0x15: {  	s12 =	sadd.s32 s9, s1;
	s7 =	sshrl.u32 s7, $0x3;
	[dreg:$0x7] =	wrdreg s21  }
0x16: {  	s9 =	sor.u32 $0x320, s29;
	s19 =	simm.s32 $0x6D60;
	[dreg:$0x8] =	wrdreg s22  }
0x17: {  	[dreg:$0x9] =	wrdreg s8;
	s8 =	sshrl.u32 s24, $0x3;
	s13 =	sadd.s32 s7, s1  }
.Ltmp0:
0x18: {  	s30 =	sshrl.u32 s9, $0x3;
	s21 =	simm.s32 $0x320;
	(pc) =	sbr.rel .LBB2_1-.Ltmp0, $4  }
0x19: {  	s22 =	simm.s32 $0x80;
	s9 =	simm.s32 $0x10360;
	s24 =	simm.s32 $0x17160  }
0x1a: {  	s11 =	sadd.s32 s8, s1;
	s8 =	sadd.s32 s26, s1;
	s0 =	sadd.s32 s30, s0  }
0x1b: {  	s1 =	simm.s32 $0x1;
	s26 =	simm.s32 $0x0;
	s14 =	sadd.s32 s6, s8  }
0x1c: {  	[dreg:$0xb] =	wrdreg s0;
	s8 =	simm.s32 $0xD160;
	s0 =	simm.s32 $0x2  }
.LBB2_6:
0x1d: {  	_ =	swait.ge [sflag:s0], $0xC800  }
0x1e: {  	[sflag:s0] =	ssyncset.done $0x0  }
0x1f: {  	s6 =	rddreg [dreg:$0x6];
	[sflag:s0] =	ssyncadd.s32 $0xFFFF3800  }
0x20: {  	[hbm4b:s6+s25] =	stream.strided.scatter [tilespmem:s8], [sflag:$0x4], $0x3200, s22, s25, $0x38;
	[tilespmem:$0x19960] =	vst v63  }
0x21: {  	s30 =	rddreg [dreg:$0x7]  }
0x22: {  	[hbm4b:s30+s25] =	stream.strided.scatter [tilespmem:s9], [sflag:$0x4], $0x3200, s22, s25, $0x38;
	[tilespmem:$0x19960] =	vst v63  }
0x23: {  	s7 =	rddreg [dreg:$0x8]  }
0x24: {  	[hbm4b:s7+s25] =	stream.strided.scatter [tilespmem:s10], [sflag:$0x4], $0x3200, s22, s25, $0x38;
	[tilespmem:$0x19960] =	vst v63  }
0x25: {  	s29 =	simm.s32 $0x3;
	s26 =	rddreg [dreg:$0x9]  }
0x26: {  	[hbm4b:s26+s25] =	stream.strided.scatter [tilespmem:s15], [sflag:$0x4], $0x3200, s22, s25, $0x38;
	[tilespmem:$0x19960] =	vst v63  }
0x27: {  	_ =	swait.ge [sflag:s29], $0x3200  }
0x28: {  	[sflag:s29] =	ssyncset.done $0x0  }
0x29: {  	[sflag:s29] =	ssyncadd.s32 $0xFFFFCE00  }
0x2a: {  	_ =	swait.ge [sflag:s29], $0x3200  }
0x2b: {  	[sflag:s29] =	ssyncset.done $0x0  }
0x2c: {  	[sflag:s29] =	ssyncadd.s32 $0xFFFFCE00  }
0x2d: {  	_ =	swait.ge [sflag:s29], $0x3200  }
0x2e: {  	[sflag:s29] =	ssyncset.done $0x0  }
0x2f: {  	[sflag:s29] =	ssyncadd.s32 $0xFFFFCE00  }
0x30: {  	_ =	swait.ge [sflag:s29], $0x3200  }
0x31: {  	[sflag:s29] =	ssyncset.done $0x0  }
0x32: {  	s7 =	simm.s32 $0x4;
	[sflag:s29] =	ssyncadd.s32 $0xFFFFCE00  }
0x33: {  	_ =	swait.ge [sflag:s7], $0x3200  }
0x34: {  	[sflag:s7] =	ssyncset.done $0x0  }
0x35: {  	[sflag:s7] =	ssyncadd.s32 $0xFFFFCE00  }
0x36: {  	_ =	swait.ge [sflag:s7], $0x3200  }
0x37: {  	[sflag:s7] =	ssyncset.done $0x0  }
0x38: {  	[sflag:s7] =	ssyncadd.s32 $0xFFFFCE00  }
0x39: {  	_ =	swait.ge [sflag:s7], $0x3200  }
0x3a: {  	[sflag:s7] =	ssyncset.done $0x0  }
0x3b: {  	[sflag:s7] =	ssyncadd.s32 $0xFFFFCE00  }
0x3c: {  	_ =	swait.ge [sflag:s7], $0x3200  }
0x3d: {  	s26 =	rddreg [dreg:$0xc]  }
0x3e: {  	s30 =	rddreg [dreg:$0xa];
	s26 =	sadd.s32 $0x1, s26  }
0x3f: {  	p1 =	sne.s32 s26, s30  }
.Ltmp1:
0x40: {  	_ = 	snop;
	(pc) =	sbr.rel @!p1 .LBB2_7-.Ltmp1, $3  }
0x41: {  	_ =	sdelay $0x1  }
0x42: {  	[sflag:s7] =	ssyncset.done $0x0  }
0x43: {  	[sflag:s7] =	ssyncadd.s32 $0xFFFFCE00  }
.LBB2_1:
0x44: {  	[dreg:$0xc] =	wrdreg s26  }
0x45: {  	s6 =	simm.s32 @!p0 $0x0;
	s26 =	simm.s32 @!p0 $0x960;
	s29 =	rddreg [dreg:$0x2]  }
0x46: {  	[tilespmem:s26], [sflag:$0x5] =	stream.linear.gather @!p0 [hbm4b:s29+s6], $0x3200, $0x38;
	[tilespmem:$0x19960] =	vst v63  }
0x47: {  	s6 =	simm.s32 @!p0 $0x5  }
0x48: {  	_ =	swait.ge @!p0 [sflag:s6], $0x3200  }
0x49: {  	[sflag:s6] =	ssyncset.done @!p0 $0x0  }
0x4a: {  	[sflag:s6] =	ssyncadd.s32 @!p0 $0xFFFFCE00  }
0x4b: {  	[spmem:s2] =	stream.linear.scatter @!p0 [tilespmem:s26], [sflag:$0x5], $0x3200, $0x38;
	[tilespmem:$0x19960] =	vst v63  }
0x4c: {  	_ =	swait.ge @!p0 [sflag:s6], $0x3200  }
0x4d: {  	[sflag:s6] =	ssyncset.done @!p0 $0x0  }
0x4e: {  	[sflag:s6] =	ssyncadd.s32 @!p0 $0xFFFFCE00  }
0x4f: {  	[bflag:$0x0] =	sbarrier.arrive $0xFFFF  }
0x50: {  	[tilespmem:s16], [sflag:$0x5] =	stream.linear.gather [spmem:s2], $0x3200, $0x38;
	[tilespmem:$0x19960] =	vst v63  }
0x51: {  	_ =	swait.ge [sflag:s17], $0x3200  }
0x52: {  	[sflag:s17] =	ssyncset.done $0x0  }
0x53: {  	[sflag:s17] =	ssyncadd.s32 $0xFFFFCE00  }
0x54: {  	[tilespmem:s18], [sflag:$0x5] =	stream.linear.gather [spmem:s2], $0x3200, $0x38;
	[tilespmem:$0x19960] =	vst v63  }
0x55: {  	_ =	swait.ge [sflag:s17], $0x3200  }
0x56: {  	[sflag:s17] =	ssyncset.done $0x0  }
0x57: {  	[sflag:s17] =	ssyncadd.s32 $0xFFFFCE00  }
0x58: {  	[tilespmem:s19], [sflag:$0x5] =	stream.linear.gather [spmem:s2], $0x3200, $0x38;
	[tilespmem:$0x19960] =	vst v63  }
0x59: {  	_ =	swait.ge [sflag:s17], $0x3200  }
0x5a: {  	[sflag:s17] =	ssyncset.done $0x0  }
0x5b: {  	[sflag:s17] =	ssyncadd.s32 $0xFFFFCE00  }
0x5c: {  	[tilespmem:s20], [sflag:$0x5] =	stream.linear.gather [spmem:s2], $0x3200, $0x38;
	[tilespmem:$0x19960] =	vst v63  }
0x5d: {  	_ =	swait.ge [sflag:s17], $0x3200  }
0x5e: {  	[sflag:s17] =	ssyncset.done $0x0  }
0x5f: {  	s26 =	rddreg [dreg:$0x5];
	[sflag:s17] =	ssyncadd.s32 $0xFFFFCE00  }
0x60: {  	[tilespmem:s21], [sflag:$0x5] =	stream.linear.gather [hbm4b:s26+s3], $0x320, $0x38;
	[tilespmem:$0x19960] =	vst v63  }
0x61: {  	_ =	swait.ge [sflag:s17], $0x320  }
0x62: {  	[sflag:s17] =	ssyncset.done $0x0  }
0x63: {  	[sflag:s17] =	ssyncadd.s32 $0xFFFFFCE0  }
0x64: {  	[tilespmem:s16], [sflag:$0x1] =	stream.indirect.gather.add.f32 [hbm:s4], $0x40, s21, s22, $0xb8;
	[tilespmem:$0x19960] =	vst v63  }
0x65: {  	s30 =	simm.s32 $0x3A0;
	s7 =	simm.s32 $0x2960  }
0x66: {  	[tilespmem:s7], [sflag:$0x1] =	stream.indirect.gather.add.f32 [hbm:s4], $0x40, s30, s22, $0xb8;
	[tilespmem:$0x19960] =	vst v63  }
0x67: {  	s30 =	simm.s32 $0x420;
	s7 =	simm.s32 $0x4960  }
0x68: {  	[tilespmem:s7], [sflag:$0x1] =	stream.indirect.gather.add.f32 [hbm:s4], $0x40, s30, s22, $0xb8;
	[tilespmem:$0x19960] =	vst v63  }
0x69: {  	s26 =	simm.s32 $0x4A0;
	s30 =	simm.s32 $0x6960  }
0x6a: {  	[tilespmem:s30], [sflag:$0x1] =	stream.indirect.gather.add.f32 [hbm:s4], $0x40, s26, s22, $0xb8;
	[tilespmem:$0x19960] =	vst v63  }
0x6b: {  	s26 =	simm.s32 $0x520;
	s30 =	simm.s32 $0x8960  }
0x6c: {  	[tilespmem:s30], [sflag:$0x1] =	stream.indirect.gather.add.f32 [hbm:s4], $0x40, s26, s22, $0xb8;
	[tilespmem:$0x19960] =	vst v63  }
.Ltmp2:
0x6d: {  	s26 =	simm.s32 $0x5A0;
	s30 =	simm.s32 $0xA960;
	(pc) =	sbr.rel .LBB2_2-.Ltmp2, $4  }
0x6e: {  	[tilespmem:s30], [sflag:$0x1] =	stream.indirect.gather.add.f32 [hbm:s4], $0x40, s26, s22, $0xb8;
	[tilespmem:$0x19960] =	vst v63  }
0x6f: {  	s26 =	simm.s32 $0x620;
	s30 =	simm.s32 $0xC960  }
0x70: {  	[tilespmem:s30], [sflag:$0x1] =	stream.indirect.gather.add.f32 [hbm:s4], $0x40, s26, s5, $0xb8;
	[tilespmem:$0x19960] =	vst v63  }
0x71: {  	s6 =	simm.s32 $0x0;
	s29 =	rddreg [dreg:$0xb];
	s26 =	simm.s32 $0x1  }
.LBB2_4:
0x72: {  	s30 =	simm.s32 @!p1 $0x4  }
0x73: {  	_ =	swait.ge @!p1 [sflag:s30], $0x3200  }
0x74: {  	[sflag:s30] =	ssyncset.done @!p1 $0x0  }
0x75: {  	[sflag:s30] =	ssyncadd.s32 @!p1 $0xFFFFCE00  }
0x76: {  	_ =	swait.ge @!p1 [sflag:s30], $0x3200  }
0x77: {  	[sflag:s30] =	ssyncset.done @!p1 $0x0  }
0x78: {  	[sflag:s30] =	ssyncadd.s32 @!p1 $0xFFFFCE00  }
0x79: {  	_ =	swait.ge @!p1 [sflag:s30], $0x3200  }
0x7a: {  	[sflag:s30] =	ssyncset.done @!p1 $0x0  }
0x7b: {  	[sflag:s30] =	ssyncadd.s32 @!p1 $0xFFFFCE00  }
0x7c: {  	_ =	swait.ge @!p1 [sflag:s30], $0x3200  }
0x7d: {  	[sflag:s30] =	ssyncset.done @!p1 $0x0  }
0x7e: {  	[sflag:s30] =	ssyncadd.s32 @!p1 $0xFFFFCE00  }
0x7f: {  	[tilespmem:s8], [sflag:$0x5] =	stream.linear.gather [spmem:s2], $0x3200, $0x38;
	[tilespmem:$0x19960] =	vst v63  }
0x80: {  	_ =	swait.ge [sflag:s17], $0x3200  }
0x81: {  	[sflag:s17] =	ssyncset.done $0x0  }
0x82: {  	[sflag:s17] =	ssyncadd.s32 $0xFFFFCE00  }
0x83: {  	[tilespmem:s9], [sflag:$0x5] =	stream.linear.gather [spmem:s2], $0x3200, $0x38;
	[tilespmem:$0x19960] =	vst v63  }
0x84: {  	_ =	swait.ge [sflag:s17], $0x3200  }
0x85: {  	[sflag:s17] =	ssyncset.done $0x0  }
0x86: {  	[sflag:s17] =	ssyncadd.s32 $0xFFFFCE00  }
0x87: {  	[tilespmem:s10], [sflag:$0x5] =	stream.linear.gather [spmem:s2], $0x3200, $0x38;
	[tilespmem:$0x19960] =	vst v63  }
0x88: {  	_ =	swait.ge [sflag:s17], $0x3200  }
0x89: {  	[sflag:s17] =	ssyncset.done $0x0  }
0x8a: {  	[sflag:s17] =	ssyncadd.s32 $0xFFFFCE00  }
0x8b: {  	[tilespmem:s15], [sflag:$0x5] =	stream.linear.gather [spmem:s2], $0x3200, $0x38;
	[tilespmem:$0x19960] =	vst v63  }
0x8c: {  	_ =	swait.ge [sflag:s17], $0x3200  }
0x8d: {  	[sflag:s17] =	ssyncset.done $0x0  }
0x8e: {  	[sflag:s17] =	ssyncadd.s32 $0xFFFFCE00  }
0x8f: {  	[tilespmem:s23], [sflag:$0x5] =	stream.linear.gather [hbm4b:s29+s3], $0x320, $0x38;
	[tilespmem:$0x19960] =	vst v63  }
0x90: {  	_ =	swait.ge [sflag:s17], $0x320  }
0x91: {  	[sflag:s17] =	ssyncset.done $0x0  }
0x92: {  	[sflag:s17] =	ssyncadd.s32 $0xFFFFFCE0  }
0x93: {  	[tilespmem:s8], [sflag:$0x2] =	stream.indirect.gather.add.f32 [hbm:s4], $0x40, s23, s22, $0xb8;
	[tilespmem:$0x19960] =	vst v63  }
0x94: {  	s7 =	simm.s32 $0x6C0;
	s30 =	simm.s32 $0xF160  }
0x95: {  	[tilespmem:s30], [sflag:$0x2] =	stream.indirect.gather.add.f32 [hbm:s4], $0x40, s7, s22, $0xb8;
	[tilespmem:$0x19960] =	vst v63  }
0x96: {  	s7 =	simm.s32 $0x740;
	s30 =	simm.s32 $0x11160  }
0x97: {  	[tilespmem:s30], [sflag:$0x2] =	stream.indirect.gather.add.f32 [hbm:s4], $0x40, s7, s22, $0xb8;
	[tilespmem:$0x19960] =	vst v63  }
0x98: {  	s7 =	simm.s32 $0x7C0;
	s30 =	simm.s32 $0x13160  }
0x99: {  	[tilespmem:s30], [sflag:$0x2] =	stream.indirect.gather.add.f32 [hbm:s4], $0x40, s7, s22, $0xb8;
	[tilespmem:$0x19960] =	vst v63  }
0x9a: {  	s7 =	simm.s32 $0x840;
	s30 =	simm.s32 $0x15160  }
0x9b: {  	[tilespmem:s30], [sflag:$0x2] =	stream.indirect.gather.add.f32 [hbm:s4], $0x40, s7, s22, $0xb8;
	[tilespmem:$0x19960] =	vst v63  }
0x9c: {  	s30 =	simm.s32 $0x8C0  }
0x9d: {  	[tilespmem:s24], [sflag:$0x2] =	stream.indirect.gather.add.f32 [hbm:s4], $0x40, s30, s22, $0xb8;
	[tilespmem:$0x19960] =	vst v63  }
0x9e: {  	_ = 	snop  }
0x9f: {  	[tilespmem:s28], [sflag:$0x2] =	stream.indirect.gather.add.f32 [hbm:s4], $0x40, s31, s5, $0xb8;
	[tilespmem:$0x19960] =	vst v63  }
0xa0: {  	_ =	swait.ge [sflag:s1], $0xC800  }
0xa1: {  	[sflag:s1] =	ssyncset.done $0x0  }
0xa2: {  	s7 =	sadd.s32 s6, s14;
	[sflag:s1] =	ssyncadd.s32 $0xFFFF3800  }
0xa3: {  	[hbm4b:s7+s25] =	stream.strided.scatter [tilespmem:s16], [sflag:$0x3], $0x3200, s22, s25, $0x38;
	[tilespmem:$0x19960] =	vst v63  }
0xa4: {  	s7 =	sadd.s32 s6, s13  }
0xa5: {  	[hbm4b:s7+s25] =	stream.strided.scatter [tilespmem:s18], [sflag:$0x3], $0x3200, s22, s25, $0x38;
	[tilespmem:$0x19960] =	vst v63  }
0xa6: {  	s7 =	sadd.s32 s6, s12  }
0xa7: {  	[hbm4b:s7+s25] =	stream.strided.scatter [tilespmem:s19], [sflag:$0x3], $0x3200, s22, s25, $0x38;
	[tilespmem:$0x19960] =	vst v63  }
0xa8: {  	s7 =	sadd.s32 s6, s11  }
0xa9: {  	[hbm4b:s7+s25] =	stream.strided.scatter [tilespmem:s20], [sflag:$0x3], $0x3200, s22, s25, $0x38;
	[tilespmem:$0x19960] =	vst v63  }
.LBB2_5:
0xaa: {  	s6 =	sadd.s32 $0x3200, s6  }
0xab: {  	p1 =	sne.s32 s6, $0x60E00  }
.Ltmp3:
0xac: {  	_ = 	snop;
	(pc) =	sbr.rel @!p1 .LBB2_6-.Ltmp3, $2  }
0xad: {  	_ =	sdelay $0x2  }
0xae: {  	s26 =	sadd.s32 $0x1, s26;
	s29 =	sadd.s32 $0x64, s29  }
.LBB2_2:
0xaf: {  	s30 =	sand.u32 $0x1, s26  }
0xb0: {  	p2 =	seq.s32 s30, $0x1  }
.Ltmp4:
0xb1: {  	_ = 	snop;
	(pc) =	sbr.rel @p2 .LBB2_4-.Ltmp4, $2  }
0xb2: {  	_ =	sdelay $0x2  }
0xb3: {  	p1 =	seq.s32 s6, $0x0  }
0xb4: {  	s30 =	simm.s32 @!p1 $0x3  }
0xb5: {  	_ =	swait.ge @!p1 [sflag:s30], $0x3200  }
0xb6: {  	[sflag:s30] =	ssyncset.done @!p1 $0x0  }
0xb7: {  	[sflag:s30] =	ssyncadd.s32 @!p1 $0xFFFFCE00  }
0xb8: {  	_ =	swait.ge @!p1 [sflag:s30], $0x3200  }
0xb9: {  	[sflag:s30] =	ssyncset.done @!p1 $0x0  }
0xba: {  	[sflag:s30] =	ssyncadd.s32 @!p1 $0xFFFFCE00  }
0xbb: {  	_ =	swait.ge @!p1 [sflag:s30], $0x3200  }
0xbc: {  	[sflag:s30] =	ssyncset.done @!p1 $0x0  }
0xbd: {  	[sflag:s30] =	ssyncadd.s32 @!p1 $0xFFFFCE00  }
0xbe: {  	_ =	swait.ge @!p1 [sflag:s30], $0x3200  }
0xbf: {  	[sflag:s30] =	ssyncset.done @!p1 $0x0  }
0xc0: {  	[sflag:s30] =	ssyncadd.s32 @!p1 $0xFFFFCE00  }
0xc1: {  	[tilespmem:s16], [sflag:$0x5] =	stream.linear.gather [spmem:s2], $0x3200, $0x38;
	[tilespmem:$0x19960] =	vst v63  }
0xc2: {  	_ =	swait.ge [sflag:s17], $0x3200  }
0xc3: {  	[sflag:s17] =	ssyncset.done $0x0  }
0xc4: {  	[sflag:s17] =	ssyncadd.s32 $0xFFFFCE00  }
0xc5: {  	[tilespmem:s18], [sflag:$0x5] =	stream.linear.gather [spmem:s2], $0x3200, $0x38;
	[tilespmem:$0x19960] =	vst v63  }
0xc6: {  	_ =	swait.ge [sflag:s17], $0x3200  }
0xc7: {  	[sflag:s17] =	ssyncset.done $0x0  }
0xc8: {  	[sflag:s17] =	ssyncadd.s32 $0xFFFFCE00  }
0xc9: {  	[tilespmem:s19], [sflag:$0x5] =	stream.linear.gather [spmem:s2], $0x3200, $0x38;
	[tilespmem:$0x19960] =	vst v63  }
0xca: {  	_ =	swait.ge [sflag:s17], $0x3200  }
0xcb: {  	[sflag:s17] =	ssyncset.done $0x0  }
0xcc: {  	[sflag:s17] =	ssyncadd.s32 $0xFFFFCE00  }
0xcd: {  	[tilespmem:s20], [sflag:$0x5] =	stream.linear.gather [spmem:s2], $0x3200, $0x38;
	[tilespmem:$0x19960] =	vst v63  }
0xce: {  	_ =	swait.ge [sflag:s17], $0x3200  }
0xcf: {  	[sflag:s17] =	ssyncset.done $0x0  }
0xd0: {  	[sflag:s17] =	ssyncadd.s32 $0xFFFFCE00  }
0xd1: {  	[tilespmem:s21], [sflag:$0x5] =	stream.linear.gather [hbm4b:s29+s3], $0x320, $0x38;
	[tilespmem:$0x19960] =	vst v63  }
0xd2: {  	_ =	swait.ge [sflag:s17], $0x320  }
0xd3: {  	[sflag:s17] =	ssyncset.done $0x0  }
0xd4: {  	[sflag:s17] =	ssyncadd.s32 $0xFFFFFCE0  }
0xd5: {  	[tilespmem:s16], [sflag:$0x1] =	stream.indirect.gather.add.f32 [hbm:s4], $0x40, s21, s22, $0xb8;
	[tilespmem:$0x19960] =	vst v63  }
0xd6: {  	s7 =	simm.s32 $0x2960;
	s30 =	simm.s32 $0x3A0  }
0xd7: {  	[tilespmem:s7], [sflag:$0x1] =	stream.indirect.gather.add.f32 [hbm:s4], $0x40, s30, s22, $0xb8;
	[tilespmem:$0x19960] =	vst v63  }
0xd8: {  	s7 =	simm.s32 $0x420;
	s30 =	simm.s32 $0x4960  }
0xd9: {  	[tilespmem:s30], [sflag:$0x1] =	stream.indirect.gather.add.f32 [hbm:s4], $0x40, s7, s22, $0xb8;
	[tilespmem:$0x19960] =	vst v63  }
0xda: {  	s7 =	simm.s32 $0x4A0;
	s30 =	simm.s32 $0x6960  }
0xdb: {  	[tilespmem:s30], [sflag:$0x1] =	stream.indirect.gather.add.f32 [hbm:s4], $0x40, s7, s22, $0xb8;
	[tilespmem:$0x19960] =	vst v63  }
0xdc: {  	s7 =	simm.s32 $0x520;
	s30 =	simm.s32 $0x8960  }
0xdd: {  	[tilespmem:s30], [sflag:$0x1] =	stream.indirect.gather.add.f32 [hbm:s4], $0x40, s7, s22, $0xb8;
	[tilespmem:$0x19960] =	vst v63  }
0xde: {  	s7 =	simm.s32 $0x5A0;
	s30 =	simm.s32 $0xA960  }
0xdf: {  	[tilespmem:s30], [sflag:$0x1] =	stream.indirect.gather.add.f32 [hbm:s4], $0x40, s7, s22, $0xb8;
	[tilespmem:$0x19960] =	vst v63  }
0xe0: {  	s7 =	simm.s32 $0x620;
	s30 =	simm.s32 $0xC960  }
0xe1: {  	[tilespmem:s30], [sflag:$0x1] =	stream.indirect.gather.add.f32 [hbm:s4], $0x40, s7, s5, $0xb8;
	[tilespmem:$0x19960] =	vst v63  }
0xe2: {  	_ =	swait.ge [sflag:s0], $0xC800  }
0xe3: {  	[sflag:s0] =	ssyncset.done $0x0  }
0xe4: {  	s7 =	sadd.s32 s6, s14;
	[sflag:s0] =	ssyncadd.s32 $0xFFFF3800  }
0xe5: {  	[hbm4b:s7+s25] =	stream.strided.scatter [tilespmem:s8], [sflag:$0x4], $0x3200, s22, s25, $0x38;
	[tilespmem:$0x19960] =	vst v63  }
0xe6: {  	s7 =	sadd.s32 s6, s13  }
0xe7: {  	[hbm4b:s7+s25] =	stream.strided.scatter [tilespmem:s9], [sflag:$0x4], $0x3200, s22, s25, $0x38;
	[tilespmem:$0x19960] =	vst v63  }
.Ltmp5:
0xe8: {  	_ = 	snop;
	(pc) =	sbr.rel .LBB2_5-.Ltmp5, $4  }
0xe9: {  	s7 =	sadd.s32 s6, s12  }
0xea: {  	[hbm4b:s7+s25] =	stream.strided.scatter [tilespmem:s10], [sflag:$0x4], $0x3200, s22, s25, $0x38;
	[tilespmem:$0x19960] =	vst v63  }
0xeb: {  	s7 =	sadd.s32 s6, s11  }
0xec: {  	[hbm4b:s7+s25] =	stream.strided.scatter [tilespmem:s15], [sflag:$0x4], $0x3200, s22, s25, $0x38;
	[tilespmem:$0x19960] =	vst v63  }
.LBB2_7:
0xed: {  	_ =	sfence.sel $0x180000  }
0xee: {  	[bflag:$0x0] =	sbarrier.arrive $0xFFFF  }
0xef: {  	_ =	strace $0x90000047  }
0xf0: {  	[bflag:$0x2] =	sbarrier.arrive $0xFFFF  }
0xf1: {  	s0 =	rddreg [dreg:$0x4]  }
0xf2: {  	s0 =	sadd.s32 @!p0 $0x100000, s0  }
0xf3: {  	[sflag:s0] =	ssyncadd.tile.s32 @!p0 $0x1;
	_ =	shalt  }
.Lfunc_end2:
_tile_overlayer_lowered:
.L_overlay_start_2:
0xf4: {  	(tag) =	ssettag $0x2  }
0xf5: {  	s0 =	rddreg [dreg:$0x0];
	s2 =	stileid.u32  }
0xf6: {  	s1 =	rddreg [dreg:$0x1];
	p0 =	sne.s32 s2, $0x0  }
0xf7: {  	s3 =	rddreg [dreg:$0x2];
	[bflag:$0x3] =	sbarrier.arrive $0xFFFF;
	s2 =	simm.s32 @!p0 $0x1C05  }
0xf8: {  	[timem:s3], [sflag:s2] =	dma.local @!p0 [hbm:s0], s1  }
0xf9: {  	s0 =	simm.s32 @!p0 $0x5  }
0xfa: {  	_ =	swait.ge @!p0 [sflag:s0], s1  }
0xfb: {  	s1 =	ssub.s32 @!p0 $0x0, s1;
	[sflag:s0] =	ssyncset.done @!p0 $0x0  }
0xfc: {  	[sflag:s0] =	ssyncadd.s32 @!p0 s1  }
0xfd: {  	[bflag:$0x3] =	sbarrier.arrive $0xFFFF  }
0xfe: {  	_ =	shalt  }

// kernel: sparse-core-data-format-call.cloned.1.call-start
scs
called_computation_lowered:
.L_overlay_start_0:
0x0: {  	s2 =	sld [smem:$0x3FD9]  }
0x1: {  	s3 =	sld [smem:$0x3FFE];
	_ =	sdelay $0x1  }
0x2: {  	s1 =	srdreg.scid  }
0x3: {  	s0 =	sand.u32 $0x1, s1  }
0x4: {  	s18 =	sshll.u32 s0, $0xA;
	s2 =	sadd.s32 s3, s2  }
0x5: {  	s2 =	sadd.s32 s2, s18  }
0x6: {  	[smem:$0x3FC5] =	sst s2  }
0x7: {  	_ = 	snop  }
0x8: {  	s2 =	sld [smem:$0x3FD0];
	(tm) =	ssettm $0x1  }
0x9: {  	s19 =	sld [smem:$0x3FFB];
	_ =	sdelay $0x3  }
0xa: {  	_ =	strace s19  }
0xb: {  	s3 =	sld [smem:$0x3FFC];
	_ =	sdelay $0x3  }
0xc: {  	_ =	strace s3  }
0xd: {  	s3 =	sld [smem:$0x3FFD];
	_ =	sdelay $0x3  }
0xe: {  	_ =	strace s3  }
0xf: {  	_ =	strace $0x8FFFFFFF  }
0x10: {  	s20 =	sld [smem:$0x3FDB];
	_ =	sdelay $0x1  }
0x11: {  	s4 =	simm.s32 $_scs_section_size  }
0x12: {  	s5 =	simm.s32 $_size__tile_overlayer_lowered;
	s6 =	simm.s32 $_tile_overlayer_lowered  }
0x13: {  	s23 =	simm.s32 $0x1BFF;
	s22 =	sshll.u32 s6, $0x1;
	s3 =	sadd.s32 s4, s20  }
0x14: {  	s7 =	simm.s32 $0x0;
	s21 =	sshll.u32 s5, $0x1;
	s5 =	sadd.s32 s22, s3  }
0x15: {  	[timem:s7], [sflag:s23] =	dma.local [hbm:s5], s21  }
0x16: {  	_ =	swait.ge [sflag:s23], s21  }
0x17: {  	s4 =	ssub.s32 $0x0, s21;
	[sflag:s23] =	ssyncset.done $0x0  }
0x18: {  	[sflag:s23] =	ssyncadd.s32 s4;
	_ =	sdelay $0x1  }
0x19: {  	s24 =	simm.s32 $0x1B8B  }
0x1a: {  	_ =	swait.ge [sflag:s24], $0x1  }
0x1b: {  	[sflag:s24] =	ssyncset.done $0x0  }
0x1c: {  	s26 =	simm.s32 $0x1B8E;
	s25 =	sld [smem:$0x3FFE];
	[sflag:s24] =	ssyncadd.s32 $0xFFFFFFFF  }
0x1d: {  	s27 =	simm.s32 $execute0_lowered;
	[smem:$0x3FD2] =	sst s26  }
0x1e: {  	s5 =	sshll.u32 s27, $0x1;
	_ =	strace $0x80000049;
	[dreg:$0x1] =	wrdreg $0xFFFFFFFF  }
0x1f: {  	s28 =	simm.s32 $_size_execute0_lowered;
	s3 =	sadd.s32 s3, s5;
	[dreg:$0x0] =	wrdreg $0x0  }
0x20: {  	s5 =	sshll.u32 s28, $0x1;
	[dreg:$0x2] =	wrdreg s3  }
0x21: {  	[dreg:$0x3] =	wrdreg s5  }
0x22: {  	[dreg:$0x4] =	wrdreg $0xC0  }
0x23: {  	_ =	task [dreg:s7], $0x5FFFF  }
0x24: {  	[dreg:$0x1] =	wrdreg $0xFFFFFFFF  }
0x25: {  	[dreg:$0x0] =	wrdreg $0x60  }
0x26: {  	[dreg:$0x2] =	wrdreg s25  }
0x27: {  	[dreg:$0x3] =	wrdreg s2  }
0x28: {  	[dreg:$0x4] =	wrdreg $0x9  }
0x29: {  	_ =	task.clear_ibuf [dreg:s7], $0x5FFFF;
	_ =	strace $0x90000049  }
0x2a: {  	s29 =	simm.s32 $0x9;
	_ =	strace $0x8000004B  }
0x2b: {  	_ =	swait.ge [sflag:s29], $0x1  }
0x2c: {  	[sflag:s29] =	ssyncadd.s32 $0xFFFFFFFF  }
0x2d: {  	_ =	strace $0x9000004B  }
0x2e: {  	_ =	sfence  }
0x2f: {  	s30 =	sld [smem:$0x0];
	_ =	sdelay $0x2  }
0x30: {  	s31 =	sshll.u32 s1, $0xD;
	s1 =	sshrl.u32 s1, $0x2  }
0x31: {  	s3 =	sand.u32 $0x4000, s31;
	s1 =	sadd.s32 s1, s30  }
0x32: {  	s0 =	sor.u32 s3, s0;
	s1 =	sshll.u32 s1, $0x11  }
0x33: {  	s0 =	sor.u32 s1, s0  }
0x34: {  	s0 =	sadd.s32 $0x8F2B, s0  }
0x35: {  	[sflag:s0] =	ssyncadd.remote.s32 $0x1  }
0x36: {  	_ =	sfence.sel $0xFFFF  }
0x37: {  	[dreg:$0x0] =	wrdreg $0xFFFFFFFF;
	(pc) =	sbr.abs _section_cstart, $3  }
0x38: {  	[dreg:$0x1] =	wrdreg $0xFFFFFFFF  }
0x39: {  	_ =	task.clear_ibuf [dreg:s7], $0x2FFFF;
	_ =	strace $0x9FFFFFFF  }
0x3a: {  	(tm) =	ssettm $0x7FFFFFFF  }
0x3b: {  	_ =	shalt  }
tec
execute0_lowered:
.L_overlay_start_1:
0x0: {  	(tag) =	ssettag $0x1  }
0x1: {  	s0 =	srdreg.scid  }
0x2: {  	s1 =	sshll.u32 s0, $0x4  }
0x3: {  	s0 =	stileid.u32;
	s1 =	sand.u32 $0x10, s1  }
0x4: {  	s1 =	sor.u32 s0, s1  }
0x5: {  	s6 =	rddreg [dreg:$0x0];
	s4 =	simm.s32 $0x1;
	s2 =	sshll.u32 s1, $0x7  }
0x6: {  	s7 =	simm.s32 $0x2;
	s12 =	simm.s32 $0x0;
	s1 =	ssub.s32 $0x1000, s2  }
0x7: {  	s8 =	simm.s32 $0x8000;
	s13 =	simm.s32 $0x0;
	s3 =	sand.u32 $0xF80, s1  }
0x8: {  	s9 =	simm.s32 $0x0;
	s5 =	sshrl.u32 s1, $0xC;
	p0 =	sne.s32 s3, $0x0  }
.Ltmp0:
0x9: {  	s1 =	rddreg [dreg:$0x2];
	s4 =	simm.s32 @!p0 $0x0;
	(pc) =	sbr.rel .LBB1_1-.Ltmp0, $4  }
0xa: {  	s11 =	simm.s32 $0x0;
	s3 =	rddreg [dreg:$0x1];
	s5 =	sadd.s32 s4, s5  }
0xb: {  	_ =	strace $0x8000004A;
	s4 =	simm.s32 $0x1;
	s5 =	smul.u32 $0xC8, s5  }
0xc: {  	s6 =	sadd.s32 $0xA00, s6;
	s10 =	smov.u32 s2;
	[sflag:s4] =	ssyncpa.u1 $0x0  }
0xd: {  	p0 =	por $0x0, $0x0;
	[sflag:s7] =	ssyncpa.u1 $0x0;
	s7 =	sor.u32 $0x1, s5  }
.LBB1_4:
0xe: {  	s16 =	sshll.u32 s13, $0x3;
	s17 =	sand.u32 $0x78, s13  }
0xf: {  	s30 =	sand.u32 $0x7E00, s13;
	s12 =	sshll.u32 s12, $0xF;
	s16 =	sand.u32 $0xC00, s16  }
0x10: {  	[tilespmem:s15+$0x810 ss:$0x81] =	vst.msk $0xffff, v2;
	s31 =	sand.u32 $0x7, s13;
	s16 =	sor.u32 s17, s16;
	s17 =	sadd.s32 s3, s30  }
0x11: {  	[tilespmem:s15+$0x1020 ss:$0x81] =	vst.msk $0xffff, v0;
	s13 =	sshll.u32 s31, $0x12;
	s12 =	sadd.s32 s12, s17;
	s16 =	sshrl.u32 s16, $0x3  }
0x12: {  	[tilespmem:s15+$0x0 ss:$0x81] =	vst.msk $0xffff, v1;
	s13 =	sor.u32 $0x400, s13;
	s12 =	sadd.s32 s16, s12  }
0x13: {  	[hbm4b:s12+s13] =	stream.strided.scatter [tilespmem:s14], [sflag:$0x2], $0x2000, s8, s13, $0x20;
	[tilespmem:$0x8080] =	vst v63  }
.LBB1_5:
0x14: {  	s14 =	sadd.s32 $0x1, s9  }
0x15: {  	s12 =	sadd.s32 $0x1000, s10;
	s16 =	smov.u32 s10;
	p2 =	sgt.s32 s14, $0xC7  }
0x16: {  	s16 =	smov.u32 @p2 s12  }
0x17: {  	s14 =	simm.s32 @p2 $0x0;
	p2 =	sgt.s32 s16, $0xFFF  }
0x18: {  	s16 =	smov.u32 @p2 s2;
	p2 =	sne.s32 s11, s7  }
.Ltmp1:
0x19: {  	p1 =	slt.u32 s11, $0x2;
	(pc) =	sbr.rel @!p2 .LBB1_6-.Ltmp1, $4  }
0x1a: {  	s15 =	simm.s32 @!p1 $0x2  }
0x1b: {  	s13 =	smov.u32 s10;
	p0 =	por !p0, !p0;
	_ =	swait.ge @!p1 [sflag:s15], $0x2000  }
0x1c: {  	s12 =	smov.u32 s9;
	[sflag:s15] =	ssyncset.done @!p1 $0x0;
	s9 =	smov.u32 s14  }
0x1d: {  	s11 =	sadd.s32 $0x1, s11;
	[sflag:s15] =	ssyncadd.s32 @!p1 $0xFFFFE000;
	s10 =	smov.u32 s16  }
.LBB1_1:
0x1e: {  	p1 =	sge.u32 s11, s5  }
0x1f: {  	s14 =	sand.u32 @!p1 $0x1FFFFFF, s9  }
0x20: {  	s15 =	smulhi.u32 @!p1 $0x147AE15, s14;
	_ =	sdelay $0x1  }
0x21: {  	s15 =	smul.u32 @!p1 $0xC8, s15  }
0x22: {  	s16 =	sxor.u32 @!p1 $0xFFFFFFFF, s11;
	s17 =	smul.u32 @!p1 $0xC80, s10  }
0x23: {  	s31 =	sadd.s32 $0xFFFFFFFF, s11;
	s16 =	sshll.u32 @!p1 s16, $0xD;
	s14 =	ssub.s32 @!p1 s14, s15  }
0x24: {  	s15 =	sand.u32 @!p1 $0x2000, s16;
	s16 =	sadd.s32 @!p1 s6, s17;
	s14 =	sshll.u32 @!p1 s14, $0x4  }
0x25: {  	s17 =	simm.s32 @!p1 $0x6400;
	s14 =	sadd.s32 @!p1 s14, s16;
	s16 =	simm.s32 @!p1 $0x40  }
0x26: {  	[tilespmem:s15], [sflag:$0x1] =	stream.strided.gather @!p1 [hbm4b:s14+s16], $0x2000, s17, s16, $0x38;
	[tilespmem:$0x8080] =	vst v63  }
0x27: {  	p1 =	sge.u32 s31, s5  }
.Ltmp2:
0x28: {  	_ = 	snop;
	(pc) =	sbr.rel @p1 .LBB1_5-.Ltmp2, $1  }
0x29: {  	_ =	sdelay $0x3  }
0x2a: {  	s14 =	simm.s32 $0x1  }
0x2b: {  	_ =	swait.ge [sflag:s4], $0x2000;
	s14 =	simm.s32 @!p0 $0x0  }
0x2c: {  	[sflag:s4] =	ssyncset.done $0x0;
	s15 =	sshll.u32 s14, $0xD  }
0x2d: {  	[sflag:s4] =	ssyncadd.s32 $0xFFFFE000;
	s18 =	sor.u32 $0x20, s15  }
0x2e: {  	s14 =	smul.u32 $0x8100, s14;
	v3 =	vld [tilespmem:s18+$0x10]  }
0x2f: {  	s30 =	sand.u32 $0x1, s11;
	v2 =	vld [tilespmem:s18+$0xFFFFFFF0]  }
0x30: {  	s15 =	smul.u32 $0x8100, s30;
	s14 =	sshrl.u32 s14, $0x2;
	v0 =	vld [tilespmem:s18+$0x0]  }
0x31: {  	v1 =	vld [tilespmem:s18+$0xFFFFFFE0];
	s16 =	sor.u32 $0x4000, s14  }
0x32: {  	s31 =	sshrl.u32 s15, $0x2;
	s15 =	sadd.s32 $0x0, s16  }
0x33: {  	s17 =	simm.s32 $0x4;
	s18 =	sadd.s32 $0x40, s18;
	s14 =	sor.u32 $0x4000, s31;
	[tilespmem:s15+$0x1830 ss:$0x81] =	vst.msk $0xffff, v3  }
.LBB1_3:
0x34: {  	v3 =	vld [tilespmem:s18+$0x10];
	p1 =	sne.s32 s17, $0x1FC;
	[tilespmem:s15+$0x810 ss:$0x81] =	vst.msk $0xffff, v2;
	s19 =	smov.u32 s17;
	s17 =	sadd.s32 $0x4, s17  }
.Ltmp3:
0x35: {  	v2 =	vld [tilespmem:s18+$0xFFFFFFF0];
	[tilespmem:s15+$0x1020 ss:$0x81] =	vst.msk $0xffff, v0;
	(pc) =	sbr.rel @p1 .LBB1_3-.Ltmp3, $4  }
0x36: {  	v0 =	vld [tilespmem:s18+$0x0];
	[tilespmem:s15+$0x0 ss:$0x81] =	vst.msk $0xffff, v1  }
0x37: {  	s15 =	sshra.s32 s19, $0x2;
	v1 =	vld [tilespmem:s18+$0xFFFFFFE0]  }
0x38: {  	s15 =	sadd.s32 s15, s16  }
0x39: {  	s18 =	sadd.s32 $0x40, s18;
	[tilespmem:s15+$0x1830 ss:$0x81] =	vst.msk $0xffff, v3  }
.Ltmp4:
0x3a: {  	_ = 	snop;
	(pc) =	sbr.rel .LBB1_4-.Ltmp4, $1  }
0x3b: {  	_ =	sdelay $0x3  }
.LBB1_6:
0x3c: {  	_ =	sfence.sel $0x180000  }
0x3d: {  	s2 =	simm.s32 $0x1;
	[bflag:$0x0] =	sbarrier.arrive $0xFFFF  }
0x3e: {  	s31 =	simm.s32 $0x2;
	[sflag:s2] =	ssyncpa.u1 $0x1  }
0x3f: {  	[sflag:s31] =	ssyncpa.u1 $0x1  }
0x40: {  	p0 =	sne.s32 s0, $0x0;
	_ =	strace $0x9000004A  }
0x41: {  	s0 =	sadd.s32 @!p0 $0x100000, s1;
	[bflag:$0x2] =	sbarrier.arrive $0xFFFF  }
0x42: {  	[sflag:s0] =	ssyncadd.tile.s32 @!p0 $0x1;
	_ =	shalt  }
.Lfunc_end1:
_tile_overlayer_lowered:
.L_overlay_start_2:
0x43: {  	(tag) =	ssettag $0x2  }
0x44: {  	s0 =	rddreg [dreg:$0x0];
	s2 =	stileid.u32  }
0x45: {  	s1 =	rddreg [dreg:$0x1];
	p0 =	sne.s32 s2, $0x0  }
0x46: {  	s3 =	rddreg [dreg:$0x2];
	[bflag:$0x3] =	sbarrier.arrive $0xFFFF;
	s2 =	simm.s32 @!p0 $0x1C01  }
0x47: {  	[timem:s3], [sflag:s2] =	dma.local @!p0 [hbm:s0], s1  }
0x48: {  	s0 =	simm.s32 @!p0 $0x1  }
0x49: {  	_ =	swait.ge @!p0 [sflag:s0], s1  }
0x4a: {  	s1 =	ssub.s32 @!p0 $0x0, s1;
	[sflag:s0] =	ssyncset.done @!p0 $0x0  }
0x4b: {  	[sflag:s0] =	ssyncadd.s32 @!p0 s1  }
0x4c: {  	[bflag:$0x3] =	sbarrier.arrive $0xFFFF  }
0x4d: {  	_ =	shalt  }

</sc_bundles>
